<compile_context>
chip_gen: v7x
topology: tpu7x:2x2x1
jax: 0.10.2.dev20260603
libtpu: 0.0.44.dev20260713+nightly
codegen_flags: <defaults>
</compile_context>

<pallas_src>
import functools

import jax
import jax.numpy as jnp
from jax import lax
from jax.experimental import pallas as pl
from jax.experimental.pallas import tpu as pltpu
from jax.experimental.pallas import tpu_sc as plsc

N = 10000
D = 128
E = 320000

NC = 2
NS = 16
L = 16
NW = NC * NS

K = 128
CHUNKS = 80
EPW = CHUNKS * K
E_PAD = NW * EPW
PNL = 16
NPANEL = CHUNKS // PNL

NR = 10240
CE = 1024
CS = 2048


def _sc_mesh():
    return plsc.VectorSubcoreMesh(
        core_axis_name="c", subcore_axis_name="s",
        num_cores=NC, num_subcores=NS)



def _deg_body(rf_ref, dm_ref):
    @pl.when(pl.program_id(0) == 0)
    def _():
        dm_ref[...] = jnp.zeros_like(dm_ref)

    rf = rf_ref[0]
    a = jnp.floor(rf * (1.0 / 128.0))
    b = rf - 128.0 * a
    iota = lax.broadcasted_iota(jnp.int32, (CE, 128), 1).astype(jnp.float32)
    oa = (a == iota).astype(jnp.float32)
    ob = (b == iota).astype(jnp.float32)
    dm_ref[...] += lax.dot_general(
        oa, ob, (((0,), (0,)), ((), ())),
        preferred_element_type=jnp.float32)


def _deg_mat(rows_f):
    nch = E_PAD // CE
    return pl.pallas_call(
        _deg_body,
        grid=(nch,),
        in_specs=[pl.BlockSpec((1, CE, 1), lambda i: (i, 0, 0))],
        out_specs=pl.BlockSpec((128, 128), lambda i: (0, 0)),
        out_shape=jax.ShapeDtypeStruct((128, 128), jnp.float32),
    )(rows_f)



def _dis(deg):
    return jnp.where(deg > 0, lax.rsqrt(jnp.maximum(deg, 1.0)), 0.0)


def _scale_matmul_body(deg_ref, x_ref, w_ref, z_ref):
    dis = _dis(deg_ref[...])
    y = jnp.dot(x_ref[...], w_ref[...], preferred_element_type=jnp.float32)
    z_ref[...] = dis * y


def _scale_matmul(deg, x_pad, W):
    blk = 1024
    return pl.pallas_call(
        _scale_matmul_body,
        grid=(NR // blk,),
        in_specs=[pl.BlockSpec((blk, 1), lambda i: (i, 0)),
                  pl.BlockSpec((blk, D), lambda i: (i, 0)),
                  pl.BlockSpec((D, D), lambda i: (0, 0))],
        out_specs=pl.BlockSpec((blk, D), lambda i: (i, 0)),
        out_shape=jax.ShapeDtypeStruct((NR, D), jnp.float32),
    )(deg, x_pad, W)



def _make_sc_gather():
    @functools.partial(
        pl.kernel,
        out_type=jax.ShapeDtypeStruct((E_PAD, D), jnp.float32),
        mesh=_sc_mesh(),
        scratch_types=[
            pltpu.VMEM((PNL, K), jnp.int32),
            pltpu.VMEM((PNL, K), jnp.int32),
            pltpu.VMEM((K, D), jnp.float32),
            pltpu.VMEM((K, D), jnp.float32),
            pltpu.SemaphoreType.DMA,
            pltpu.SemaphoreType.DMA,
        ],
    )
    def gather(col_hbm, z_hbm, g_hbm, cpa, cpb, buf0, buf1, sem0, sem1):
        c = lax.axis_index("c")
        s = lax.axis_index("s")
        w = s * NC + c
        base = w * EPW

        pltpu.sync_copy(col_hbm.at[w, pl.ds(0, PNL)], cpa)
        pltpu.async_copy(z_hbm.at[cpa.at[0]], buf0, sem0)

        pans = [(cpa,), (cpb,)]
        for p in range(NPANEL):
            (cA,) = pans[p % 2]
            (cB,) = pans[(p + 1) % 2]
            pbase = base + p * PNL * K
            if p < NPANEL - 1:
                pltpu.sync_copy(col_hbm.at[w, pl.ds((p + 1) * PNL, PNL)], cB)

            @pl.loop(0, PNL // 2 - 1, unroll=False)
            def pair(i, cA=cA, pbase=pbase):
                j0 = 2 * i
                pltpu.async_copy(z_hbm.at[cA.at[j0 + 1]], buf1, sem1)
                pltpu.make_async_copy(z_hbm.at[cA.at[j0]], buf0, sem0).wait()
                pltpu.sync_copy(buf0, g_hbm.at[pl.ds(pbase + j0 * K, K)])
                pltpu.async_copy(z_hbm.at[cA.at[j0 + 2]], buf0, sem0)
                pltpu.make_async_copy(z_hbm.at[cA.at[j0 + 1]], buf1, sem1).wait()
                pltpu.sync_copy(buf1, g_hbm.at[pl.ds(pbase + (j0 + 1) * K, K)])

            pltpu.async_copy(z_hbm.at[cA.at[PNL - 1]], buf1, sem1)
            pltpu.make_async_copy(z_hbm.at[cA.at[PNL - 2]], buf0, sem0).wait()
            pltpu.sync_copy(buf0, g_hbm.at[pl.ds(pbase + (PNL - 2) * K, K)])
            if p < NPANEL - 1:
                pltpu.async_copy(z_hbm.at[cB.at[0]], buf0, sem0)
            pltpu.make_async_copy(z_hbm.at[cA.at[PNL - 1]], buf1, sem1).wait()
            pltpu.sync_copy(buf1, g_hbm.at[pl.ds(pbase + (PNL - 1) * K, K)])

    return gather


_sc_gather_kernel = _make_sc_gather()



NACC = 8


def _scatter_body(rows_ref, g_ref, *acc_refs):
    @pl.when(pl.program_id(0) == 0)
    def _():
        for a in acc_refs:
            a[...] = jnp.zeros_like(a)

    def body(j, _):
        j4 = NACC * j
        gblk = g_ref[pl.ds(j4, NACC), :]
        for q in range(NACC):
            r = rows_ref[0, 0, j4 + q]
            acc_refs[q][pl.ds(r, 1), :] += gblk[q:q + 1, :]
        return 0
    lax.fori_loop(0, CS // NACC, body, 0)


def _tc_scatter(rows2, G):
    nch = E_PAD // CS
    return pl.pallas_call(
        _scatter_body,
        grid=(nch,),
        in_specs=[pl.BlockSpec((1, 1, CS), lambda i: (i, 0, 0),
                               memory_space=pltpu.SMEM),
                  pl.BlockSpec((CS, D), lambda i: (i, 0))],
        out_specs=[pl.BlockSpec((NR, D), lambda i: (0, 0))] * NACC,
        out_shape=[jax.ShapeDtypeStruct((NR, D), jnp.float32)] * NACC,
    )(rows2, G)



def _epilogue_body(deg_ref, b_ref, *refs):
    acc_refs = refs[:-1]
    o_ref = refs[-1]
    dis = _dis(deg_ref[...])
    acc = acc_refs[0][...]
    for a in acc_refs[1:]:
        acc = acc + a[...]
    v = dis * acc + b_ref[...]
    o_ref[...] = jnp.where(v >= 0, v, 0.2 * v)


def _epilogue(deg, accs, b2):
    blk = 1000
    fs = pl.BlockSpec((blk, D), lambda i: (i, 0))
    return pl.pallas_call(
        _epilogue_body,
        grid=(N // blk,),
        in_specs=[pl.BlockSpec((blk, 1), lambda i: (i, 0)),
                  pl.BlockSpec((1, D), lambda i: (0, 0))] + [fs] * NACC,
        out_specs=fs,
        out_shape=jax.ShapeDtypeStruct((N, D), jnp.float32),
    )(deg, b2, *accs)


def kernel(x, edge_index, W, b):
    ei = edge_index.astype(jnp.int32)
    pad = E_PAD - E
    row_p = jnp.concatenate([ei[0], jnp.full((pad,), N, jnp.int32)])
    col_p = jnp.concatenate([ei[1], jnp.full((pad,), N, jnp.int32)])

    rows_f = row_p.astype(jnp.float32).reshape(E_PAD // CE, CE, 1)
    deg_mat = _deg_mat(rows_f)
    deg = deg_mat.reshape(128 * 128, 1)[:NR]

    x_pad = jnp.concatenate(
        [x, jnp.zeros((NR - N, D), jnp.float32)], axis=0)
    z = _scale_matmul(deg, x_pad, W)

    col3 = col_p.reshape(NW, CHUNKS, K)
    G = _sc_gather_kernel(col3, z)

    rows2 = row_p.reshape(E_PAD // CS, 1, CS)
    accs = _tc_scatter(rows2, G)

    return _epilogue(deg[:N], [a[:N] for a in accs], b.reshape(1, D))

# --- scband reference (transcript-rebuilt; emitter-appended) ---
"""Pipeline reference for scband-hetero-gcn-3246995275924 (READ-ONLY COPY).

The authoritative reference and input builder live on the scoring server;
editing this copy changes nothing except your own understanding.
"""

import jax, jax.numpy as jnp
import numpy as np

N_NODES = 10000
D_FEAT = 128
N_EDGES = 320000


def setup_inputs(seed: int = 0) -> dict:
    key = jax.random.key(seed)
    k1, k2, k3 = jax.random.split(key, 3)
    x = jax.random.normal(k1, (N_NODES, D_FEAT), dtype=jnp.float32)
    edge_index = jax.random.randint(k2, (2, N_EDGES), 0, N_NODES, dtype=jnp.int32).astype(jnp.int64)
    # Dense layer params (units = x_shape[1] = D_FEAT), glorot-uniform style init
    limit = np.sqrt(6.0 / (D_FEAT + D_FEAT))
    W = jax.random.uniform(k3, (D_FEAT, D_FEAT), dtype=jnp.float32, minval=-limit, maxval=limit)
    b = jnp.zeros((D_FEAT,), dtype=jnp.float32)
    return {"x": x, "edge_index": edge_index, "W": W, "b": b}


def reference(x, edge_index, W, b):
    # LightGCN-style symmetric normalization: A_hat = D^{-1/2} A D^{-1/2} (no self-loops)
    num_nodes = x.shape[0]
    row = edge_index[0]
    col = edge_index[1]
    deg = jnp.zeros((num_nodes,), dtype=x.dtype).at[row].add(1.0)
    deg_inv_sqrt = jnp.where(deg > 0, jax.lax.rsqrt(jnp.maximum(deg, 1.0)), 0.0)
    edge_weight = deg_inv_sqrt[row] * deg_inv_sqrt[col]
    # sparse matmul: h = A_hat @ x  (gather neighbor feats, scatter-add into rows)
    gathered = edge_weight[:, None] * jnp.take(x, col, axis=0)
    h = jnp.zeros_like(x).at[row].add(gathered)
    # gcn_dense: Dense(D_FEAT, activation=leaky_relu)
    h = h @ W + b
    h = jax.nn.leaky_relu(h, negative_slope=0.2)
    return h

if __name__ == "__main__":
    import jax
    _d = setup_inputs()
    print(jax.jit(kernel)(*tuple(_d.values())))

</pallas_src>

<mosaic_0001>
#map = affine_map<(d0, d1) -> (0, 0, 0)>
#map1 = affine_map<(d0, d1) -> (0, 0)>
module attributes {stable_mosaic.version = 14 : i64} {
  func.func @gather(%arg0: i32, %arg1: i32, %arg2: memref<32x80x128xi32, #tpu.memory_space<hbm>>, %arg3: memref<10240x128xf32, #tpu.memory_space<hbm>>, %arg4: memref<327680x128xf32, #tpu.memory_space<hbm>>, %arg5: memref<16x128xi32, #tpu.memory_space<vmem>>, %arg6: memref<16x128xi32, #tpu.memory_space<vmem>>, %arg7: memref<128x128xf32, #tpu.memory_space<vmem>>, %arg8: memref<128x128xf32, #tpu.memory_space<vmem>>, %arg9: memref<!tpu.dma_semaphore, #tpu.memory_space<semaphore_mem>>, %arg10: memref<!tpu.dma_semaphore, #tpu.memory_space<semaphore_mem>>) attributes {dimension_semantics = [#tpu.dimension_semantics<core_parallel>, #tpu.dimension_semantics<subcore_parallel>], iteration_bounds = array<i64: 2, 16>, scalar_prefetch = 0 : i64, scratch_operands = 6 : i64, tpu.core_type = #tpu.core_type<sc_vector_subcore>, window_params = [{transform_indices = #map}, {transform_indices = #map1}, {transform_indices = #map1}]} {
    %mul3A = arith.constant 2 : i32
    %mul3A_0 = arith.muli %arg1, %mul3A : i32
    %add3A = arith.addi %mul3A_0, %arg0 : i32
    %mul3A_1 = arith.constant 10240 : i32
    %mul3A_2 = arith.muli %add3A, %mul3A_1 : i32
    "tpu.region"() ({
      %run_scoped3A = tpu.sem_alloc : memref<!tpu.dma_semaphore, #tpu.memory_space<semaphore_mem>>
      %dma_start3A_195 = arith.constant 0 : i32
      %dma_start3A_196 = arith.constant 0 : i32
      %dma_start3A_197 = tpu.memref_slice %arg2[%add3A, %dma_start3A_195, %dma_start3A_196] : memref<32x80x128xi32, #tpu.memory_space<hbm>> -> memref<1x16x128xi32, #tpu.memory_space<hbm>>
      %dma_start3A_198 = tpu.memref_squeeze %dma_start3A_197 : memref<1x16x128xi32, #tpu.memory_space<hbm>> -> memref<16x128xi32, #tpu.memory_space<hbm>>
      %dma_start3A_199 = arith.constant 0 : i32
      %dma_start3A_200 = arith.constant 0 : i32
      %dma_start3A_201 = tpu.memref_slice %arg2[%add3A, %dma_start3A_199, %dma_start3A_200] : memref<32x80x128xi32, #tpu.memory_space<hbm>> -> memref<1x16x128xi32, #tpu.memory_space<hbm>>
      %dma_start3A_202 = tpu.memref_squeeze %dma_start3A_201 : memref<1x16x128xi32, #tpu.memory_space<hbm>> -> memref<16x128xi32, #tpu.memory_space<hbm>>
      tpu.enqueue_dma source(%dma_start3A_202 : memref<16x128xi32, #tpu.memory_space<hbm>>) target(%arg5 : memref<16x128xi32, #tpu.memory_space<vmem>>) target_semaphore(%run_scoped3A : memref<!tpu.dma_semaphore, #tpu.memory_space<semaphore_mem>>)
      %dma_wait3A_203 = arith.constant 0 : i32
      %dma_wait3A_204 = arith.constant 0 : i32
      %dma_wait3A_205 = tpu.memref_slice %arg2[%add3A, %dma_wait3A_203, %dma_wait3A_204] : memref<32x80x128xi32, #tpu.memory_space<hbm>> -> memref<1x16x128xi32, #tpu.memory_space<hbm>>
      %dma_wait3A_206 = tpu.memref_squeeze %dma_wait3A_205 : memref<1x16x128xi32, #tpu.memory_space<hbm>> -> memref<16x128xi32, #tpu.memory_space<hbm>>
      %dma_wait3A_207 = arith.constant 0 : i32
      %dma_wait3A_208 = arith.constant 0 : i32
      %dma_wait3A_209 = tpu.memref_slice %arg2[%add3A, %dma_wait3A_207, %dma_wait3A_208] : memref<32x80x128xi32, #tpu.memory_space<hbm>> -> memref<1x16x128xi32, #tpu.memory_space<hbm>>
      %dma_wait3A_210 = tpu.memref_squeeze %dma_wait3A_209 : memref<1x16x128xi32, #tpu.memory_space<hbm>> -> memref<16x128xi32, #tpu.memory_space<hbm>>
      tpu.wait_dma2 semaphore(%run_scoped3A : memref<!tpu.dma_semaphore, #tpu.memory_space<semaphore_mem>>) src(%dma_wait3A_210 : memref<16x128xi32, #tpu.memory_space<hbm>>) dst(%arg5 : memref<16x128xi32, #tpu.memory_space<vmem>>)
      tpu.yield
    }) : () -> ()
    %dma_start3A = arith.constant 0 : i32
    %dma_start3A_3 = arith.constant 0 : i32
    %dma_start3A_4 = tpu.memref_slice %arg5[%dma_start3A, %dma_start3A_3] : memref<16x128xi32, #tpu.memory_space<vmem>> -> memref<1x128xi32, #tpu.memory_space<vmem>>
    %dma_start3A_5 = tpu.memref_squeeze %dma_start3A_4 : memref<1x128xi32, #tpu.memory_space<vmem>> -> memref<128xi32, #tpu.memory_space<vmem>>
    %dma_start3A_6 = arith.constant 0 : i32
    %dma_start3A_7 = arith.constant 0 : i32
    %dma_start3A_8 = tpu.memref_slice %arg3[%dma_start3A_6, %dma_start3A_7] : memref<10240x128xf32, #tpu.memory_space<hbm>> -> memref<10240x128xf32, #tpu.memory_space<hbm>>
    tpu.enqueue_indirect_dma source(%dma_start3A_8 : memref<10240x128xf32, #tpu.memory_space<hbm>>) target(%arg7 : memref<128x128xf32, #tpu.memory_space<vmem>>) offsets(%dma_start3A_5 : memref<128xi32, #tpu.memory_space<vmem>>) semaphore(%arg9 : memref<!tpu.dma_semaphore, #tpu.memory_space<semaphore_mem>>)
    %add3A_9 = arith.constant 0 : i32
    %add3A_10 = arith.addi %mul3A_2, %add3A_9 : i32
    "tpu.region"() ({
      %run_scoped3A = tpu.sem_alloc : memref<!tpu.dma_semaphore, #tpu.memory_space<semaphore_mem>>
      %dma_start3A_195 = arith.constant 16 : i32
      %dma_start3A_196 = arith.constant 0 : i32
      %dma_start3A_197 = tpu.memref_slice %arg2[%add3A, %dma_start3A_195, %dma_start3A_196] : memref<32x80x128xi32, #tpu.memory_space<hbm>> -> memref<1x16x128xi32, #tpu.memory_space<hbm>>
      %dma_start3A_198 = tpu.memref_squeeze %dma_start3A_197 : memref<1x16x128xi32, #tpu.memory_space<hbm>> -> memref<16x128xi32, #tpu.memory_space<hbm>>
      %dma_start3A_199 = arith.constant 16 : i32
      %dma_start3A_200 = arith.constant 0 : i32
      %dma_start3A_201 = tpu.memref_slice %arg2[%add3A, %dma_start3A_199, %dma_start3A_200] : memref<32x80x128xi32, #tpu.memory_space<hbm>> -> memref<1x16x128xi32, #tpu.memory_space<hbm>>
      %dma_start3A_202 = tpu.memref_squeeze %dma_start3A_201 : memref<1x16x128xi32, #tpu.memory_space<hbm>> -> memref<16x128xi32, #tpu.memory_space<hbm>>
      tpu.enqueue_dma source(%dma_start3A_202 : memref<16x128xi32, #tpu.memory_space<hbm>>) target(%arg6 : memref<16x128xi32, #tpu.memory_space<vmem>>) target_semaphore(%run_scoped3A : memref<!tpu.dma_semaphore, #tpu.memory_space<semaphore_mem>>)
      %dma_wait3A_203 = arith.constant 16 : i32
      %dma_wait3A_204 = arith.constant 0 : i32
      %dma_wait3A_205 = tpu.memref_slice %arg2[%add3A, %dma_wait3A_203, %dma_wait3A_204] : memref<32x80x128xi32, #tpu.memory_space<hbm>> -> memref<1x16x128xi32, #tpu.memory_space<hbm>>
      %dma_wait3A_206 = tpu.memref_squeeze %dma_wait3A_205 : memref<1x16x128xi32, #tpu.memory_space<hbm>> -> memref<16x128xi32, #tpu.memory_space<hbm>>
      %dma_wait3A_207 = arith.constant 16 : i32
      %dma_wait3A_208 = arith.constant 0 : i32
      %dma_wait3A_209 = tpu.memref_slice %arg2[%add3A, %dma_wait3A_207, %dma_wait3A_208] : memref<32x80x128xi32, #tpu.memory_space<hbm>> -> memref<1x16x128xi32, #tpu.memory_space<hbm>>
      %dma_wait3A_210 = tpu.memref_squeeze %dma_wait3A_209 : memref<1x16x128xi32, #tpu.memory_space<hbm>> -> memref<16x128xi32, #tpu.memory_space<hbm>>
      tpu.wait_dma2 semaphore(%run_scoped3A : memref<!tpu.dma_semaphore, #tpu.memory_space<semaphore_mem>>) src(%dma_wait3A_210 : memref<16x128xi32, #tpu.memory_space<hbm>>) dst(%arg6 : memref<16x128xi32, #tpu.memory_space<vmem>>)
      tpu.yield
    }) : () -> ()
    %scan3A = arith.constant 0 : i32
    %scan3A_11 = arith.constant 7 : i32
    %scan3A_12 = arith.addi %scan3A, %scan3A_11 : i32
    %scan3A_13 = arith.constant 1 : i32
    scf.for %scan3A_195 = %scan3A to %scan3A_12 step %scan3A_13  : i32 {
      %mul3A_196 = arith.constant 1 : i32
      %mul3A_197 = arith.muli %scan3A_195, %mul3A_196 : i32
      %add3A_198 = arith.constant 0 : i32
      %add3A_199 = arith.addi %add3A_198, %mul3A_197 : i32
      %mul3A_200 = arith.constant 2 : i32
      %mul3A_201 = arith.muli %mul3A_200, %add3A_199 : i32
      %add3A_202 = arith.constant 1 : i32
      %add3A_203 = arith.addi %mul3A_201, %add3A_202 : i32
      %dma_start3A_204 = arith.constant 0 : i32
      %dma_start3A_205 = tpu.memref_slice %arg5[%add3A_203, %dma_start3A_204] : memref<16x128xi32, #tpu.memory_space<vmem>> -> memref<1x128xi32, #tpu.memory_space<vmem>>
      %dma_start3A_206 = tpu.memref_squeeze %dma_start3A_205 : memref<1x128xi32, #tpu.memory_space<vmem>> -> memref<128xi32, #tpu.memory_space<vmem>>
      %dma_start3A_207 = arith.constant 0 : i32
      %dma_start3A_208 = arith.constant 0 : i32
      %dma_start3A_209 = tpu.memref_slice %arg3[%dma_start3A_207, %dma_start3A_208] : memref<10240x128xf32, #tpu.memory_space<hbm>> -> memref<10240x128xf32, #tpu.memory_space<hbm>>
      tpu.enqueue_indirect_dma source(%dma_start3A_209 : memref<10240x128xf32, #tpu.memory_space<hbm>>) target(%arg8 : memref<128x128xf32, #tpu.memory_space<vmem>>) offsets(%dma_start3A_206 : memref<128xi32, #tpu.memory_space<vmem>>) semaphore(%arg10 : memref<!tpu.dma_semaphore, #tpu.memory_space<semaphore_mem>>)
      %dma_wait3A_210 = arith.constant 0 : i32
      %dma_wait3A_211 = tpu.memref_slice %arg5[%mul3A_201, %dma_wait3A_210] : memref<16x128xi32, #tpu.memory_space<vmem>> -> memref<1x128xi32, #tpu.memory_space<vmem>>
      %dma_wait3A_212 = tpu.memref_squeeze %dma_wait3A_211 : memref<1x128xi32, #tpu.memory_space<vmem>> -> memref<128xi32, #tpu.memory_space<vmem>>
      %dma_wait3A_213 = arith.constant 0 : i32
      %dma_wait3A_214 = arith.constant 0 : i32
      %dma_wait3A_215 = tpu.memref_slice %arg3[%dma_wait3A_213, %dma_wait3A_214] : memref<10240x128xf32, #tpu.memory_space<hbm>> -> memref<10240x128xf32, #tpu.memory_space<hbm>>
      tpu.wait_indirect_dma semaphore(%arg9 : memref<!tpu.dma_semaphore, #tpu.memory_space<semaphore_mem>>) src(%dma_wait3A_215 : memref<10240x128xf32, #tpu.memory_space<hbm>>) dst(%arg7 : memref<128x128xf32, #tpu.memory_space<vmem>>)
      %mul3A_216 = arith.constant 128 : i32
      %mul3A_217 = arith.muli %mul3A_201, %mul3A_216 : i32
      %add3A_218 = arith.addi %add3A_10, %mul3A_217 : i32
      "tpu.region"() ({
        %run_scoped3A = tpu.sem_alloc : memref<!tpu.dma_semaphore, #tpu.memory_space<semaphore_mem>>
        %dma_start3A_240 = arith.constant 0 : i32
        %dma_start3A_241 = tpu.memref_slice %arg4[%add3A_218, %dma_start3A_240] : memref<327680x128xf32, #tpu.memory_space<hbm>> -> memref<128x128xf32, #tpu.memory_space<hbm>>
        %dma_start3A_242 = arith.constant 0 : i32
        %dma_start3A_243 = tpu.memref_slice %arg4[%add3A_218, %dma_start3A_242] : memref<327680x128xf32, #tpu.memory_space<hbm>> -> memref<128x128xf32, #tpu.memory_space<hbm>>
        tpu.enqueue_dma source(%arg7 : memref<128x128xf32, #tpu.memory_space<vmem>>) target(%dma_start3A_243 : memref<128x128xf32, #tpu.memory_space<hbm>>) target_semaphore(%run_scoped3A : memref<!tpu.dma_semaphore, #tpu.memory_space<semaphore_mem>>)
        %dma_wait3A_244 = arith.constant 0 : i32
        %dma_wait3A_245 = tpu.memref_slice %arg4[%add3A_218, %dma_wait3A_244] : memref<327680x128xf32, #tpu.memory_space<hbm>> -> memref<128x128xf32, #tpu.memory_space<hbm>>
        %dma_wait3A_246 = arith.constant 0 : i32
        %dma_wait3A_247 = tpu.memref_slice %arg4[%add3A_218, %dma_wait3A_246] : memref<327680x128xf32, #tpu.memory_space<hbm>> -> memref<128x128xf32, #tpu.memory_space<hbm>>
        tpu.wait_dma2 semaphore(%run_scoped3A : memref<!tpu.dma_semaphore, #tpu.memory_space<semaphore_mem>>) src(%arg7 : memref<128x128xf32, #tpu.memory_space<vmem>>) dst(%dma_wait3A_247 : memref<128x128xf32, #tpu.memory_space<hbm>>)
        tpu.yield
      }) : () -> ()
      %add3A_219 = arith.constant 2 : i32
      %add3A_220 = arith.addi %mul3A_201, %add3A_219 : i32
      %dma_start3A_221 = arith.constant 0 : i32
      %dma_start3A_222 = tpu.memref_slice %arg5[%add3A_220, %dma_start3A_221] : memref<16x128xi32, #tpu.memory_space<vmem>> -> memref<1x128xi32, #tpu.memory_space<vmem>>
      %dma_start3A_223 = tpu.memref_squeeze %dma_start3A_222 : memref<1x128xi32, #tpu.memory_space<vmem>> -> memref<128xi32, #tpu.memory_space<vmem>>
      %dma_start3A_224 = arith.constant 0 : i32
      %dma_start3A_225 = arith.constant 0 : i32
      %dma_start3A_226 = tpu.memref_slice %arg3[%dma_start3A_224, %dma_start3A_225] : memref<10240x128xf32, #tpu.memory_space<hbm>> -> memref<10240x128xf32, #tpu.memory_space<hbm>>
      tpu.enqueue_indirect_dma source(%dma_start3A_226 : memref<10240x128xf32, #tpu.memory_space<hbm>>) target(%arg7 : memref<128x128xf32, #tpu.memory_space<vmem>>) offsets(%dma_start3A_223 : memref<128xi32, #tpu.memory_space<vmem>>) semaphore(%arg9 : memref<!tpu.dma_semaphore, #tpu.memory_space<semaphore_mem>>)
      %add3A_227 = arith.constant 1 : i32
      %add3A_228 = arith.addi %mul3A_201, %add3A_227 : i32
      %dma_wait3A_229 = arith.constant 0 : i32
      %dma_wait3A_230 = tpu.memref_slice %arg5[%add3A_228, %dma_wait3A_229] : memref<16x128xi32, #tpu.memory_space<vmem>> -> memref<1x128xi32, #tpu.memory_space<vmem>>
      %dma_wait3A_231 = tpu.memref_squeeze %dma_wait3A_230 : memref<1x128xi32, #tpu.memory_space<vmem>> -> memref<128xi32, #tpu.memory_space<vmem>>
      %dma_wait3A_232 = arith.constant 0 : i32
      %dma_wait3A_233 = arith.constant 0 : i32
      %dma_wait3A_234 = tpu.memref_slice %arg3[%dma_wait3A_232, %dma_wait3A_233] : memref<10240x128xf32, #tpu.memory_space<hbm>> -> memref<10240x128xf32, #tpu.memory_space<hbm>>
      tpu.wait_indirect_dma semaphore(%arg10 : memref<!tpu.dma_semaphore, #tpu.memory_space<semaphore_mem>>) src(%dma_wait3A_234 : memref<10240x128xf32, #tpu.memory_space<hbm>>) dst(%arg8 : memref<128x128xf32, #tpu.memory_space<vmem>>)
      %add3A_235 = arith.constant 1 : i32
      %add3A_236 = arith.addi %mul3A_201, %add3A_235 : i32
      %mul3A_237 = arith.constant 128 : i32
      %mul3A_238 = arith.muli %add3A_236, %mul3A_237 : i32
      %add3A_239 = arith.addi %add3A_10, %mul3A_238 : i32
      "tpu.region"() ({
        %run_scoped3A = tpu.sem_alloc : memref<!tpu.dma_semaphore, #tpu.memory_space<semaphore_mem>>
        %dma_start3A_240 = arith.constant 0 : i32
        %dma_start3A_241 = tpu.memref_slice %arg4[%add3A_239, %dma_start3A_240] : memref<327680x128xf32, #tpu.memory_space<hbm>> -> memref<128x128xf32, #tpu.memory_space<hbm>>
        %dma_start3A_242 = arith.constant 0 : i32
        %dma_start3A_243 = tpu.memref_slice %arg4[%add3A_239, %dma_start3A_242] : memref<327680x128xf32, #tpu.memory_space<hbm>> -> memref<128x128xf32, #tpu.memory_space<hbm>>
        tpu.enqueue_dma source(%arg8 : memref<128x128xf32, #tpu.memory_space<vmem>>) target(%dma_start3A_243 : memref<128x128xf32, #tpu.memory_space<hbm>>) target_semaphore(%run_scoped3A : memref<!tpu.dma_semaphore, #tpu.memory_space<semaphore_mem>>)
        %dma_wait3A_244 = arith.constant 0 : i32
        %dma_wait3A_245 = tpu.memref_slice %arg4[%add3A_239, %dma_wait3A_244] : memref<327680x128xf32, #tpu.memory_space<hbm>> -> memref<128x128xf32, #tpu.memory_space<hbm>>
        %dma_wait3A_246 = arith.constant 0 : i32
        %dma_wait3A_247 = tpu.memref_slice %arg4[%add3A_239, %dma_wait3A_246] : memref<327680x128xf32, #tpu.memory_space<hbm>> -> memref<128x128xf32, #tpu.memory_space<hbm>>
        tpu.wait_dma2 semaphore(%run_scoped3A : memref<!tpu.dma_semaphore, #tpu.memory_space<semaphore_mem>>) src(%arg8 : memref<128x128xf32, #tpu.memory_space<vmem>>) dst(%dma_wait3A_247 : memref<128x128xf32, #tpu.memory_space<hbm>>)
        tpu.yield
      }) : () -> ()
    }
    %scan3A_14 = arith.constant 7 : i32
    %dma_start3A_15 = arith.constant 15 : i32
    %dma_start3A_16 = arith.constant 0 : i32
    %dma_start3A_17 = tpu.memref_slice %arg5[%dma_start3A_15, %dma_start3A_16] : memref<16x128xi32, #tpu.memory_space<vmem>> -> memref<1x128xi32, #tpu.memory_space<vmem>>
    %dma_start3A_18 = tpu.memref_squeeze %dma_start3A_17 : memref<1x128xi32, #tpu.memory_space<vmem>> -> memref<128xi32, #tpu.memory_space<vmem>>
    %dma_start3A_19 = arith.constant 0 : i32
    %dma_start3A_20 = arith.constant 0 : i32
    %dma_start3A_21 = tpu.memref_slice %arg3[%dma_start3A_19, %dma_start3A_20] : memref<10240x128xf32, #tpu.memory_space<hbm>> -> memref<10240x128xf32, #tpu.memory_space<hbm>>
    tpu.enqueue_indirect_dma source(%dma_start3A_21 : memref<10240x128xf32, #tpu.memory_space<hbm>>) target(%arg8 : memref<128x128xf32, #tpu.memory_space<vmem>>) offsets(%dma_start3A_18 : memref<128xi32, #tpu.memory_space<vmem>>) semaphore(%arg10 : memref<!tpu.dma_semaphore, #tpu.memory_space<semaphore_mem>>)
    %dma_wait3A = arith.constant 14 : i32
    %dma_wait3A_22 = arith.constant 0 : i32
    %dma_wait3A_23 = tpu.memref_slice %arg5[%dma_wait3A, %dma_wait3A_22] : memref<16x128xi32, #tpu.memory_space<vmem>> -> memref<1x128xi32, #tpu.memory_space<vmem>>
    %dma_wait3A_24 = tpu.memref_squeeze %dma_wait3A_23 : memref<1x128xi32, #tpu.memory_space<vmem>> -> memref<128xi32, #tpu.memory_space<vmem>>
    %dma_wait3A_25 = arith.constant 0 : i32
    %dma_wait3A_26 = arith.constant 0 : i32
    %dma_wait3A_27 = tpu.memref_slice %arg3[%dma_wait3A_25, %dma_wait3A_26] : memref<10240x128xf32, #tpu.memory_space<hbm>> -> memref<10240x128xf32, #tpu.memory_space<hbm>>
    tpu.wait_indirect_dma semaphore(%arg9 : memref<!tpu.dma_semaphore, #tpu.memory_space<semaphore_mem>>) src(%dma_wait3A_27 : memref<10240x128xf32, #tpu.memory_space<hbm>>) dst(%arg7 : memref<128x128xf32, #tpu.memory_space<vmem>>)
    %add3A_28 = arith.constant 1792 : i32
    %add3A_29 = arith.addi %add3A_10, %add3A_28 : i32
    "tpu.region"() ({
      %run_scoped3A = tpu.sem_alloc : memref<!tpu.dma_semaphore, #tpu.memory_space<semaphore_mem>>
      %dma_start3A_195 = arith.constant 0 : i32
      %dma_start3A_196 = tpu.memref_slice %arg4[%add3A_29, %dma_start3A_195] : memref<327680x128xf32, #tpu.memory_space<hbm>> -> memref<128x128xf32, #tpu.memory_space<hbm>>
      %dma_start3A_197 = arith.constant 0 : i32
      %dma_start3A_198 = tpu.memref_slice %arg4[%add3A_29, %dma_start3A_197] : memref<327680x128xf32, #tpu.memory_space<hbm>> -> memref<128x128xf32, #tpu.memory_space<hbm>>
      tpu.enqueue_dma source(%arg7 : memref<128x128xf32, #tpu.memory_space<vmem>>) target(%dma_start3A_198 : memref<128x128xf32, #tpu.memory_space<hbm>>) target_semaphore(%run_scoped3A : memref<!tpu.dma_semaphore, #tpu.memory_space<semaphore_mem>>)
      %dma_wait3A_199 = arith.constant 0 : i32
      %dma_wait3A_200 = tpu.memref_slice %arg4[%add3A_29, %dma_wait3A_199] : memref<327680x128xf32, #tpu.memory_space<hbm>> -> memref<128x128xf32, #tpu.memory_space<hbm>>
      %dma_wait3A_201 = arith.constant 0 : i32
      %dma_wait3A_202 = tpu.memref_slice %arg4[%add3A_29, %dma_wait3A_201] : memref<327680x128xf32, #tpu.memory_space<hbm>> -> memref<128x128xf32, #tpu.memory_space<hbm>>
      tpu.wait_dma2 semaphore(%run_scoped3A : memref<!tpu.dma_semaphore, #tpu.memory_space<semaphore_mem>>) src(%arg7 : memref<128x128xf32, #tpu.memory_space<vmem>>) dst(%dma_wait3A_202 : memref<128x128xf32, #tpu.memory_space<hbm>>)
      tpu.yield
    }) : () -> ()
    %dma_start3A_30 = arith.constant 0 : i32
    %dma_start3A_31 = arith.constant 0 : i32
    %dma_start3A_32 = tpu.memref_slice %arg6[%dma_start3A_30, %dma_start3A_31] : memref<16x128xi32, #tpu.memory_space<vmem>> -> memref<1x128xi32, #tpu.memory_space<vmem>>
    %dma_start3A_33 = tpu.memref_squeeze %dma_start3A_32 : memref<1x128xi32, #tpu.memory_space<vmem>> -> memref<128xi32, #tpu.memory_space<vmem>>
    %dma_start3A_34 = arith.constant 0 : i32
    %dma_start3A_35 = arith.constant 0 : i32
    %dma_start3A_36 = tpu.memref_slice %arg3[%dma_start3A_34, %dma_start3A_35] : memref<10240x128xf32, #tpu.memory_space<hbm>> -> memref<10240x128xf32, #tpu.memory_space<hbm>>
    tpu.enqueue_indirect_dma source(%dma_start3A_36 : memref<10240x128xf32, #tpu.memory_space<hbm>>) target(%arg7 : memref<128x128xf32, #tpu.memory_space<vmem>>) offsets(%dma_start3A_33 : memref<128xi32, #tpu.memory_space<vmem>>) semaphore(%arg9 : memref<!tpu.dma_semaphore, #tpu.memory_space<semaphore_mem>>)
    %dma_wait3A_37 = arith.constant 15 : i32
    %dma_wait3A_38 = arith.constant 0 : i32
    %dma_wait3A_39 = tpu.memref_slice %arg5[%dma_wait3A_37, %dma_wait3A_38] : memref<16x128xi32, #tpu.memory_space<vmem>> -> memref<1x128xi32, #tpu.memory_space<vmem>>
    %dma_wait3A_40 = tpu.memref_squeeze %dma_wait3A_39 : memref<1x128xi32, #tpu.memory_space<vmem>> -> memref<128xi32, #tpu.memory_space<vmem>>
    %dma_wait3A_41 = arith.constant 0 : i32
    %dma_wait3A_42 = arith.constant 0 : i32
    %dma_wait3A_43 = tpu.memref_slice %arg3[%dma_wait3A_41, %dma_wait3A_42] : memref<10240x128xf32, #tpu.memory_space<hbm>> -> memref<10240x128xf32, #tpu.memory_space<hbm>>
    tpu.wait_indirect_dma semaphore(%arg10 : memref<!tpu.dma_semaphore, #tpu.memory_space<semaphore_mem>>) src(%dma_wait3A_43 : memref<10240x128xf32, #tpu.memory_space<hbm>>) dst(%arg8 : memref<128x128xf32, #tpu.memory_space<vmem>>)
    %add3A_44 = arith.constant 1920 : i32
    %add3A_45 = arith.addi %add3A_10, %add3A_44 : i32
    "tpu.region"() ({
      %run_scoped3A = tpu.sem_alloc : memref<!tpu.dma_semaphore, #tpu.memory_space<semaphore_mem>>
      %dma_start3A_195 = arith.constant 0 : i32
      %dma_start3A_196 = tpu.memref_slice %arg4[%add3A_45, %dma_start3A_195] : memref<327680x128xf32, #tpu.memory_space<hbm>> -> memref<128x128xf32, #tpu.memory_space<hbm>>
      %dma_start3A_197 = arith.constant 0 : i32
      %dma_start3A_198 = tpu.memref_slice %arg4[%add3A_45, %dma_start3A_197] : memref<327680x128xf32, #tpu.memory_space<hbm>> -> memref<128x128xf32, #tpu.memory_space<hbm>>
      tpu.enqueue_dma source(%arg8 : memref<128x128xf32, #tpu.memory_space<vmem>>) target(%dma_start3A_198 : memref<128x128xf32, #tpu.memory_space<hbm>>) target_semaphore(%run_scoped3A : memref<!tpu.dma_semaphore, #tpu.memory_space<semaphore_mem>>)
      %dma_wait3A_199 = arith.constant 0 : i32
      %dma_wait3A_200 = tpu.memref_slice %arg4[%add3A_45, %dma_wait3A_199] : memref<327680x128xf32, #tpu.memory_space<hbm>> -> memref<128x128xf32, #tpu.memory_space<hbm>>
      %dma_wait3A_201 = arith.constant 0 : i32
      %dma_wait3A_202 = tpu.memref_slice %arg4[%add3A_45, %dma_wait3A_201] : memref<327680x128xf32, #tpu.memory_space<hbm>> -> memref<128x128xf32, #tpu.memory_space<hbm>>
      tpu.wait_dma2 semaphore(%run_scoped3A : memref<!tpu.dma_semaphore, #tpu.memory_space<semaphore_mem>>) src(%arg8 : memref<128x128xf32, #tpu.memory_space<vmem>>) dst(%dma_wait3A_202 : memref<128x128xf32, #tpu.memory_space<hbm>>)
      tpu.yield
    }) : () -> ()
    %add3A_46 = arith.constant 2048 : i32
    %add3A_47 = arith.addi %mul3A_2, %add3A_46 : i32
    "tpu.region"() ({
      %run_scoped3A = tpu.sem_alloc : memref<!tpu.dma_semaphore, #tpu.memory_space<semaphore_mem>>
      %dma_start3A_195 = arith.constant 32 : i32
      %dma_start3A_196 = arith.constant 0 : i32
      %dma_start3A_197 = tpu.memref_slice %arg2[%add3A, %dma_start3A_195, %dma_start3A_196] : memref<32x80x128xi32, #tpu.memory_space<hbm>> -> memref<1x16x128xi32, #tpu.memory_space<hbm>>
      %dma_start3A_198 = tpu.memref_squeeze %dma_start3A_197 : memref<1x16x128xi32, #tpu.memory_space<hbm>> -> memref<16x128xi32, #tpu.memory_space<hbm>>
      %dma_start3A_199 = arith.constant 32 : i32
      %dma_start3A_200 = arith.constant 0 : i32
      %dma_start3A_201 = tpu.memref_slice %arg2[%add3A, %dma_start3A_199, %dma_start3A_200] : memref<32x80x128xi32, #tpu.memory_space<hbm>> -> memref<1x16x128xi32, #tpu.memory_space<hbm>>
      %dma_start3A_202 = tpu.memref_squeeze %dma_start3A_201 : memref<1x16x128xi32, #tpu.memory_space<hbm>> -> memref<16x128xi32, #tpu.memory_space<hbm>>
      tpu.enqueue_dma source(%dma_start3A_202 : memref<16x128xi32, #tpu.memory_space<hbm>>) target(%arg5 : memref<16x128xi32, #tpu.memory_space<vmem>>) target_semaphore(%run_scoped3A : memref<!tpu.dma_semaphore, #tpu.memory_space<semaphore_mem>>)
      %dma_wait3A_203 = arith.constant 32 : i32
      %dma_wait3A_204 = arith.constant 0 : i32
      %dma_wait3A_205 = tpu.memref_slice %arg2[%add3A, %dma_wait3A_203, %dma_wait3A_204] : memref<32x80x128xi32, #tpu.memory_space<hbm>> -> memref<1x16x128xi32, #tpu.memory_space<hbm>>
      %dma_wait3A_206 = tpu.memref_squeeze %dma_wait3A_205 : memref<1x16x128xi32, #tpu.memory_space<hbm>> -> memref<16x128xi32, #tpu.memory_space<hbm>>
      %dma_wait3A_207 = arith.constant 32 : i32
      %dma_wait3A_208 = arith.constant 0 : i32
      %dma_wait3A_209 = tpu.memref_slice %arg2[%add3A, %dma_wait3A_207, %dma_wait3A_208] : memref<32x80x128xi32, #tpu.memory_space<hbm>> -> memref<1x16x128xi32, #tpu.memory_space<hbm>>
      %dma_wait3A_210 = tpu.memref_squeeze %dma_wait3A_209 : memref<1x16x128xi32, #tpu.memory_space<hbm>> -> memref<16x128xi32, #tpu.memory_space<hbm>>
      tpu.wait_dma2 semaphore(%run_scoped3A : memref<!tpu.dma_semaphore, #tpu.memory_space<semaphore_mem>>) src(%dma_wait3A_210 : memref<16x128xi32, #tpu.memory_space<hbm>>) dst(%arg5 : memref<16x128xi32, #tpu.memory_space<vmem>>)
      tpu.yield
    }) : () -> ()
    %scan3A_48 = arith.constant 0 : i32
    %scan3A_49 = arith.constant 7 : i32
    %scan3A_50 = arith.addi %scan3A_48, %scan3A_49 : i32
    %scan3A_51 = arith.constant 1 : i32
    scf.for %scan3A_195 = %scan3A_48 to %scan3A_50 step %scan3A_51  : i32 {
      %mul3A_196 = arith.constant 1 : i32
      %mul3A_197 = arith.muli %scan3A_195, %mul3A_196 : i32
      %add3A_198 = arith.constant 0 : i32
      %add3A_199 = arith.addi %add3A_198, %mul3A_197 : i32
      %mul3A_200 = arith.constant 2 : i32
      %mul3A_201 = arith.muli %mul3A_200, %add3A_199 : i32
      %add3A_202 = arith.constant 1 : i32
      %add3A_203 = arith.addi %mul3A_201, %add3A_202 : i32
      %dma_start3A_204 = arith.constant 0 : i32
      %dma_start3A_205 = tpu.memref_slice %arg6[%add3A_203, %dma_start3A_204] : memref<16x128xi32, #tpu.memory_space<vmem>> -> memref<1x128xi32, #tpu.memory_space<vmem>>
      %dma_start3A_206 = tpu.memref_squeeze %dma_start3A_205 : memref<1x128xi32, #tpu.memory_space<vmem>> -> memref<128xi32, #tpu.memory_space<vmem>>
      %dma_start3A_207 = arith.constant 0 : i32
      %dma_start3A_208 = arith.constant 0 : i32
      %dma_start3A_209 = tpu.memref_slice %arg3[%dma_start3A_207, %dma_start3A_208] : memref<10240x128xf32, #tpu.memory_space<hbm>> -> memref<10240x128xf32, #tpu.memory_space<hbm>>
      tpu.enqueue_indirect_dma source(%dma_start3A_209 : memref<10240x128xf32, #tpu.memory_space<hbm>>) target(%arg8 : memref<128x128xf32, #tpu.memory_space<vmem>>) offsets(%dma_start3A_206 : memref<128xi32, #tpu.memory_space<vmem>>) semaphore(%arg10 : memref<!tpu.dma_semaphore, #tpu.memory_space<semaphore_mem>>)
      %dma_wait3A_210 = arith.constant 0 : i32
      %dma_wait3A_211 = tpu.memref_slice %arg6[%mul3A_201, %dma_wait3A_210] : memref<16x128xi32, #tpu.memory_space<vmem>> -> memref<1x128xi32, #tpu.memory_space<vmem>>
      %dma_wait3A_212 = tpu.memref_squeeze %dma_wait3A_211 : memref<1x128xi32, #tpu.memory_space<vmem>> -> memref<128xi32, #tpu.memory_space<vmem>>
      %dma_wait3A_213 = arith.constant 0 : i32
      %dma_wait3A_214 = arith.constant 0 : i32
      %dma_wait3A_215 = tpu.memref_slice %arg3[%dma_wait3A_213, %dma_wait3A_214] : memref<10240x128xf32, #tpu.memory_space<hbm>> -> memref<10240x128xf32, #tpu.memory_space<hbm>>
      tpu.wait_indirect_dma semaphore(%arg9 : memref<!tpu.dma_semaphore, #tpu.memory_space<semaphore_mem>>) src(%dma_wait3A_215 : memref<10240x128xf32, #tpu.memory_space<hbm>>) dst(%arg7 : memref<128x128xf32, #tpu.memory_space<vmem>>)
      %mul3A_216 = arith.constant 128 : i32
      %mul3A_217 = arith.muli %mul3A_201, %mul3A_216 : i32
      %add3A_218 = arith.addi %add3A_47, %mul3A_217 : i32
      "tpu.region"() ({
        %run_scoped3A = tpu.sem_alloc : memref<!tpu.dma_semaphore, #tpu.memory_space<semaphore_mem>>
        %dma_start3A_240 = arith.constant 0 : i32
        %dma_start3A_241 = tpu.memref_slice %arg4[%add3A_218, %dma_start3A_240] : memref<327680x128xf32, #tpu.memory_space<hbm>> -> memref<128x128xf32, #tpu.memory_space<hbm>>
        %dma_start3A_242 = arith.constant 0 : i32
        %dma_start3A_243 = tpu.memref_slice %arg4[%add3A_218, %dma_start3A_242] : memref<327680x128xf32, #tpu.memory_space<hbm>> -> memref<128x128xf32, #tpu.memory_space<hbm>>
        tpu.enqueue_dma source(%arg7 : memref<128x128xf32, #tpu.memory_space<vmem>>) target(%dma_start3A_243 : memref<128x128xf32, #tpu.memory_space<hbm>>) target_semaphore(%run_scoped3A : memref<!tpu.dma_semaphore, #tpu.memory_space<semaphore_mem>>)
        %dma_wait3A_244 = arith.constant 0 : i32
        %dma_wait3A_245 = tpu.memref_slice %arg4[%add3A_218, %dma_wait3A_244] : memref<327680x128xf32, #tpu.memory_space<hbm>> -> memref<128x128xf32, #tpu.memory_space<hbm>>
        %dma_wait3A_246 = arith.constant 0 : i32
        %dma_wait3A_247 = tpu.memref_slice %arg4[%add3A_218, %dma_wait3A_246] : memref<327680x128xf32, #tpu.memory_space<hbm>> -> memref<128x128xf32, #tpu.memory_space<hbm>>
        tpu.wait_dma2 semaphore(%run_scoped3A : memref<!tpu.dma_semaphore, #tpu.memory_space<semaphore_mem>>) src(%arg7 : memref<128x128xf32, #tpu.memory_space<vmem>>) dst(%dma_wait3A_247 : memref<128x128xf32, #tpu.memory_space<hbm>>)
        tpu.yield
      }) : () -> ()
      %add3A_219 = arith.constant 2 : i32
      %add3A_220 = arith.addi %mul3A_201, %add3A_219 : i32
      %dma_start3A_221 = arith.constant 0 : i32
      %dma_start3A_222 = tpu.memref_slice %arg6[%add3A_220, %dma_start3A_221] : memref<16x128xi32, #tpu.memory_space<vmem>> -> memref<1x128xi32, #tpu.memory_space<vmem>>
      %dma_start3A_223 = tpu.memref_squeeze %dma_start3A_222 : memref<1x128xi32, #tpu.memory_space<vmem>> -> memref<128xi32, #tpu.memory_space<vmem>>
      %dma_start3A_224 = arith.constant 0 : i32
      %dma_start3A_225 = arith.constant 0 : i32
      %dma_start3A_226 = tpu.memref_slice %arg3[%dma_start3A_224, %dma_start3A_225] : memref<10240x128xf32, #tpu.memory_space<hbm>> -> memref<10240x128xf32, #tpu.memory_space<hbm>>
      tpu.enqueue_indirect_dma source(%dma_start3A_226 : memref<10240x128xf32, #tpu.memory_space<hbm>>) target(%arg7 : memref<128x128xf32, #tpu.memory_space<vmem>>) offsets(%dma_start3A_223 : memref<128xi32, #tpu.memory_space<vmem>>) semaphore(%arg9 : memref<!tpu.dma_semaphore, #tpu.memory_space<semaphore_mem>>)
      %add3A_227 = arith.constant 1 : i32
      %add3A_228 = arith.addi %mul3A_201, %add3A_227 : i32
      %dma_wait3A_229 = arith.constant 0 : i32
      %dma_wait3A_230 = tpu.memref_slice %arg6[%add3A_228, %dma_wait3A_229] : memref<16x128xi32, #tpu.memory_space<vmem>> -> memref<1x128xi32, #tpu.memory_space<vmem>>
      %dma_wait3A_231 = tpu.memref_squeeze %dma_wait3A_230 : memref<1x128xi32, #tpu.memory_space<vmem>> -> memref<128xi32, #tpu.memory_space<vmem>>
      %dma_wait3A_232 = arith.constant 0 : i32
      %dma_wait3A_233 = arith.constant 0 : i32
      %dma_wait3A_234 = tpu.memref_slice %arg3[%dma_wait3A_232, %dma_wait3A_233] : memref<10240x128xf32, #tpu.memory_space<hbm>> -> memref<10240x128xf32, #tpu.memory_space<hbm>>
      tpu.wait_indirect_dma semaphore(%arg10 : memref<!tpu.dma_semaphore, #tpu.memory_space<semaphore_mem>>) src(%dma_wait3A_234 : memref<10240x128xf32, #tpu.memory_space<hbm>>) dst(%arg8 : memref<128x128xf32, #tpu.memory_space<vmem>>)
      %add3A_235 = arith.constant 1 : i32
      %add3A_236 = arith.addi %mul3A_201, %add3A_235 : i32
      %mul3A_237 = arith.constant 128 : i32
      %mul3A_238 = arith.muli %add3A_236, %mul3A_237 : i32
      %add3A_239 = arith.addi %add3A_47, %mul3A_238 : i32
      "tpu.region"() ({
        %run_scoped3A = tpu.sem_alloc : memref<!tpu.dma_semaphore, #tpu.memory_space<semaphore_mem>>
        %dma_start3A_240 = arith.constant 0 : i32
        %dma_start3A_241 = tpu.memref_slice %arg4[%add3A_239, %dma_start3A_240] : memref<327680x128xf32, #tpu.memory_space<hbm>> -> memref<128x128xf32, #tpu.memory_space<hbm>>
        %dma_start3A_242 = arith.constant 0 : i32
        %dma_start3A_243 = tpu.memref_slice %arg4[%add3A_239, %dma_start3A_242] : memref<327680x128xf32, #tpu.memory_space<hbm>> -> memref<128x128xf32, #tpu.memory_space<hbm>>
        tpu.enqueue_dma source(%arg8 : memref<128x128xf32, #tpu.memory_space<vmem>>) target(%dma_start3A_243 : memref<128x128xf32, #tpu.memory_space<hbm>>) target_semaphore(%run_scoped3A : memref<!tpu.dma_semaphore, #tpu.memory_space<semaphore_mem>>)
        %dma_wait3A_244 = arith.constant 0 : i32
        %dma_wait3A_245 = tpu.memref_slice %arg4[%add3A_239, %dma_wait3A_244] : memref<327680x128xf32, #tpu.memory_space<hbm>> -> memref<128x128xf32, #tpu.memory_space<hbm>>
        %dma_wait3A_246 = arith.constant 0 : i32
        %dma_wait3A_247 = tpu.memref_slice %arg4[%add3A_239, %dma_wait3A_246] : memref<327680x128xf32, #tpu.memory_space<hbm>> -> memref<128x128xf32, #tpu.memory_space<hbm>>
        tpu.wait_dma2 semaphore(%run_scoped3A : memref<!tpu.dma_semaphore, #tpu.memory_space<semaphore_mem>>) src(%arg8 : memref<128x128xf32, #tpu.memory_space<vmem>>) dst(%dma_wait3A_247 : memref<128x128xf32, #tpu.memory_space<hbm>>)
        tpu.yield
      }) : () -> ()
    }
    %scan3A_52 = arith.constant 7 : i32
    %dma_start3A_53 = arith.constant 15 : i32
    %dma_start3A_54 = arith.constant 0 : i32
    %dma_start3A_55 = tpu.memref_slice %arg6[%dma_start3A_53, %dma_start3A_54] : memref<16x128xi32, #tpu.memory_space<vmem>> -> memref<1x128xi32, #tpu.memory_space<vmem>>
    %dma_start3A_56 = tpu.memref_squeeze %dma_start3A_55 : memref<1x128xi32, #tpu.memory_space<vmem>> -> memref<128xi32, #tpu.memory_space<vmem>>
    %dma_start3A_57 = arith.constant 0 : i32
    %dma_start3A_58 = arith.constant 0 : i32
    %dma_start3A_59 = tpu.memref_slice %arg3[%dma_start3A_57, %dma_start3A_58] : memref<10240x128xf32, #tpu.memory_space<hbm>> -> memref<10240x128xf32, #tpu.memory_space<hbm>>
    tpu.enqueue_indirect_dma source(%dma_start3A_59 : memref<10240x128xf32, #tpu.memory_space<hbm>>) target(%arg8 : memref<128x128xf32, #tpu.memory_space<vmem>>) offsets(%dma_start3A_56 : memref<128xi32, #tpu.memory_space<vmem>>) semaphore(%arg10 : memref<!tpu.dma_semaphore, #tpu.memory_space<semaphore_mem>>)
    %dma_wait3A_60 = arith.constant 14 : i32
    %dma_wait3A_61 = arith.constant 0 : i32
    %dma_wait3A_62 = tpu.memref_slice %arg6[%dma_wait3A_60, %dma_wait3A_61] : memref<16x128xi32, #tpu.memory_space<vmem>> -> memref<1x128xi32, #tpu.memory_space<vmem>>
    %dma_wait3A_63 = tpu.memref_squeeze %dma_wait3A_62 : memref<1x128xi32, #tpu.memory_space<vmem>> -> memref<128xi32, #tpu.memory_space<vmem>>
    %dma_wait3A_64 = arith.constant 0 : i32
    %dma_wait3A_65 = arith.constant 0 : i32
    %dma_wait3A_66 = tpu.memref_slice %arg3[%dma_wait3A_64, %dma_wait3A_65] : memref<10240x128xf32, #tpu.memory_space<hbm>> -> memref<10240x128xf32, #tpu.memory_space<hbm>>
    tpu.wait_indirect_dma semaphore(%arg9 : memref<!tpu.dma_semaphore, #tpu.memory_space<semaphore_mem>>) src(%dma_wait3A_66 : memref<10240x128xf32, #tpu.memory_space<hbm>>) dst(%arg7 : memref<128x128xf32, #tpu.memory_space<vmem>>)
    %add3A_67 = arith.constant 1792 : i32
    %add3A_68 = arith.addi %add3A_47, %add3A_67 : i32
    "tpu.region"() ({
      %run_scoped3A = tpu.sem_alloc : memref<!tpu.dma_semaphore, #tpu.memory_space<semaphore_mem>>
      %dma_start3A_195 = arith.constant 0 : i32
      %dma_start3A_196 = tpu.memref_slice %arg4[%add3A_68, %dma_start3A_195] : memref<327680x128xf32, #tpu.memory_space<hbm>> -> memref<128x128xf32, #tpu.memory_space<hbm>>
      %dma_start3A_197 = arith.constant 0 : i32
      %dma_start3A_198 = tpu.memref_slice %arg4[%add3A_68, %dma_start3A_197] : memref<327680x128xf32, #tpu.memory_space<hbm>> -> memref<128x128xf32, #tpu.memory_space<hbm>>
      tpu.enqueue_dma source(%arg7 : memref<128x128xf32, #tpu.memory_space<vmem>>) target(%dma_start3A_198 : memref<128x128xf32, #tpu.memory_space<hbm>>) target_semaphore(%run_scoped3A : memref<!tpu.dma_semaphore, #tpu.memory_space<semaphore_mem>>)
      %dma_wait3A_199 = arith.constant 0 : i32
      %dma_wait3A_200 = tpu.memref_slice %arg4[%add3A_68, %dma_wait3A_199] : memref<327680x128xf32, #tpu.memory_space<hbm>> -> memref<128x128xf32, #tpu.memory_space<hbm>>
      %dma_wait3A_201 = arith.constant 0 : i32
      %dma_wait3A_202 = tpu.memref_slice %arg4[%add3A_68, %dma_wait3A_201] : memref<327680x128xf32, #tpu.memory_space<hbm>> -> memref<128x128xf32, #tpu.memory_space<hbm>>
      tpu.wait_dma2 semaphore(%run_scoped3A : memref<!tpu.dma_semaphore, #tpu.memory_space<semaphore_mem>>) src(%arg7 : memref<128x128xf32, #tpu.memory_space<vmem>>) dst(%dma_wait3A_202 : memref<128x128xf32, #tpu.memory_space<hbm>>)
      tpu.yield
    }) : () -> ()
    %dma_start3A_69 = arith.constant 0 : i32
    %dma_start3A_70 = arith.constant 0 : i32
    %dma_start3A_71 = tpu.memref_slice %arg5[%dma_start3A_69, %dma_start3A_70] : memref<16x128xi32, #tpu.memory_space<vmem>> -> memref<1x128xi32, #tpu.memory_space<vmem>>
    %dma_start3A_72 = tpu.memref_squeeze %dma_start3A_71 : memref<1x128xi32, #tpu.memory_space<vmem>> -> memref<128xi32, #tpu.memory_space<vmem>>
    %dma_start3A_73 = arith.constant 0 : i32
    %dma_start3A_74 = arith.constant 0 : i32
    %dma_start3A_75 = tpu.memref_slice %arg3[%dma_start3A_73, %dma_start3A_74] : memref<10240x128xf32, #tpu.memory_space<hbm>> -> memref<10240x128xf32, #tpu.memory_space<hbm>>
    tpu.enqueue_indirect_dma source(%dma_start3A_75 : memref<10240x128xf32, #tpu.memory_space<hbm>>) target(%arg7 : memref<128x128xf32, #tpu.memory_space<vmem>>) offsets(%dma_start3A_72 : memref<128xi32, #tpu.memory_space<vmem>>) semaphore(%arg9 : memref<!tpu.dma_semaphore, #tpu.memory_space<semaphore_mem>>)
    %dma_wait3A_76 = arith.constant 15 : i32
    %dma_wait3A_77 = arith.constant 0 : i32
    %dma_wait3A_78 = tpu.memref_slice %arg6[%dma_wait3A_76, %dma_wait3A_77] : memref<16x128xi32, #tpu.memory_space<vmem>> -> memref<1x128xi32, #tpu.memory_space<vmem>>
    %dma_wait3A_79 = tpu.memref_squeeze %dma_wait3A_78 : memref<1x128xi32, #tpu.memory_space<vmem>> -> memref<128xi32, #tpu.memory_space<vmem>>
    %dma_wait3A_80 = arith.constant 0 : i32
    %dma_wait3A_81 = arith.constant 0 : i32
    %dma_wait3A_82 = tpu.memref_slice %arg3[%dma_wait3A_80, %dma_wait3A_81] : memref<10240x128xf32, #tpu.memory_space<hbm>> -> memref<10240x128xf32, #tpu.memory_space<hbm>>
    tpu.wait_indirect_dma semaphore(%arg10 : memref<!tpu.dma_semaphore, #tpu.memory_space<semaphore_mem>>) src(%dma_wait3A_82 : memref<10240x128xf32, #tpu.memory_space<hbm>>) dst(%arg8 : memref<128x128xf32, #tpu.memory_space<vmem>>)
    %add3A_83 = arith.constant 1920 : i32
    %add3A_84 = arith.addi %add3A_47, %add3A_83 : i32
    "tpu.region"() ({
      %run_scoped3A = tpu.sem_alloc : memref<!tpu.dma_semaphore, #tpu.memory_space<semaphore_mem>>
      %dma_start3A_195 = arith.constant 0 : i32
      %dma_start3A_196 = tpu.memref_slice %arg4[%add3A_84, %dma_start3A_195] : memref<327680x128xf32, #tpu.memory_space<hbm>> -> memref<128x128xf32, #tpu.memory_space<hbm>>
      %dma_start3A_197 = arith.constant 0 : i32
      %dma_start3A_198 = tpu.memref_slice %arg4[%add3A_84, %dma_start3A_197] : memref<327680x128xf32, #tpu.memory_space<hbm>> -> memref<128x128xf32, #tpu.memory_space<hbm>>
      tpu.enqueue_dma source(%arg8 : memref<128x128xf32, #tpu.memory_space<vmem>>) target(%dma_start3A_198 : memref<128x128xf32, #tpu.memory_space<hbm>>) target_semaphore(%run_scoped3A : memref<!tpu.dma_semaphore, #tpu.memory_space<semaphore_mem>>)
      %dma_wait3A_199 = arith.constant 0 : i32
      %dma_wait3A_200 = tpu.memref_slice %arg4[%add3A_84, %dma_wait3A_199] : memref<327680x128xf32, #tpu.memory_space<hbm>> -> memref<128x128xf32, #tpu.memory_space<hbm>>
      %dma_wait3A_201 = arith.constant 0 : i32
      %dma_wait3A_202 = tpu.memref_slice %arg4[%add3A_84, %dma_wait3A_201] : memref<327680x128xf32, #tpu.memory_space<hbm>> -> memref<128x128xf32, #tpu.memory_space<hbm>>
      tpu.wait_dma2 semaphore(%run_scoped3A : memref<!tpu.dma_semaphore, #tpu.memory_space<semaphore_mem>>) src(%arg8 : memref<128x128xf32, #tpu.memory_space<vmem>>) dst(%dma_wait3A_202 : memref<128x128xf32, #tpu.memory_space<hbm>>)
      tpu.yield
    }) : () -> ()
    %add3A_85 = arith.constant 4096 : i32
    %add3A_86 = arith.addi %mul3A_2, %add3A_85 : i32
    "tpu.region"() ({
      %run_scoped3A = tpu.sem_alloc : memref<!tpu.dma_semaphore, #tpu.memory_space<semaphore_mem>>
      %dma_start3A_195 = arith.constant 48 : i32
      %dma_start3A_196 = arith.constant 0 : i32
      %dma_start3A_197 = tpu.memref_slice %arg2[%add3A, %dma_start3A_195, %dma_start3A_196] : memref<32x80x128xi32, #tpu.memory_space<hbm>> -> memref<1x16x128xi32, #tpu.memory_space<hbm>>
      %dma_start3A_198 = tpu.memref_squeeze %dma_start3A_197 : memref<1x16x128xi32, #tpu.memory_space<hbm>> -> memref<16x128xi32, #tpu.memory_space<hbm>>
      %dma_start3A_199 = arith.constant 48 : i32
      %dma_start3A_200 = arith.constant 0 : i32
      %dma_start3A_201 = tpu.memref_slice %arg2[%add3A, %dma_start3A_199, %dma_start3A_200] : memref<32x80x128xi32, #tpu.memory_space<hbm>> -> memref<1x16x128xi32, #tpu.memory_space<hbm>>
      %dma_start3A_202 = tpu.memref_squeeze %dma_start3A_201 : memref<1x16x128xi32, #tpu.memory_space<hbm>> -> memref<16x128xi32, #tpu.memory_space<hbm>>
      tpu.enqueue_dma source(%dma_start3A_202 : memref<16x128xi32, #tpu.memory_space<hbm>>) target(%arg6 : memref<16x128xi32, #tpu.memory_space<vmem>>) target_semaphore(%run_scoped3A : memref<!tpu.dma_semaphore, #tpu.memory_space<semaphore_mem>>)
      %dma_wait3A_203 = arith.constant 48 : i32
      %dma_wait3A_204 = arith.constant 0 : i32
      %dma_wait3A_205 = tpu.memref_slice %arg2[%add3A, %dma_wait3A_203, %dma_wait3A_204] : memref<32x80x128xi32, #tpu.memory_space<hbm>> -> memref<1x16x128xi32, #tpu.memory_space<hbm>>
      %dma_wait3A_206 = tpu.memref_squeeze %dma_wait3A_205 : memref<1x16x128xi32, #tpu.memory_space<hbm>> -> memref<16x128xi32, #tpu.memory_space<hbm>>
      %dma_wait3A_207 = arith.constant 48 : i32
      %dma_wait3A_208 = arith.constant 0 : i32
      %dma_wait3A_209 = tpu.memref_slice %arg2[%add3A, %dma_wait3A_207, %dma_wait3A_208] : memref<32x80x128xi32, #tpu.memory_space<hbm>> -> memref<1x16x128xi32, #tpu.memory_space<hbm>>
      %dma_wait3A_210 = tpu.memref_squeeze %dma_wait3A_209 : memref<1x16x128xi32, #tpu.memory_space<hbm>> -> memref<16x128xi32, #tpu.memory_space<hbm>>
      tpu.wait_dma2 semaphore(%run_scoped3A : memref<!tpu.dma_semaphore, #tpu.memory_space<semaphore_mem>>) src(%dma_wait3A_210 : memref<16x128xi32, #tpu.memory_space<hbm>>) dst(%arg6 : memref<16x128xi32, #tpu.memory_space<vmem>>)
      tpu.yield
    }) : () -> ()
    %scan3A_87 = arith.constant 0 : i32
    %scan3A_88 = arith.constant 7 : i32
    %scan3A_89 = arith.addi %scan3A_87, %scan3A_88 : i32
    %scan3A_90 = arith.constant 1 : i32
    scf.for %scan3A_195 = %scan3A_87 to %scan3A_89 step %scan3A_90  : i32 {
      %mul3A_196 = arith.constant 1 : i32
      %mul3A_197 = arith.muli %scan3A_195, %mul3A_196 : i32
      %add3A_198 = arith.constant 0 : i32
      %add3A_199 = arith.addi %add3A_198, %mul3A_197 : i32
      %mul3A_200 = arith.constant 2 : i32
      %mul3A_201 = arith.muli %mul3A_200, %add3A_199 : i32
      %add3A_202 = arith.constant 1 : i32
      %add3A_203 = arith.addi %mul3A_201, %add3A_202 : i32
      %dma_start3A_204 = arith.constant 0 : i32
      %dma_start3A_205 = tpu.memref_slice %arg5[%add3A_203, %dma_start3A_204] : memref<16x128xi32, #tpu.memory_space<vmem>> -> memref<1x128xi32, #tpu.memory_space<vmem>>
      %dma_start3A_206 = tpu.memref_squeeze %dma_start3A_205 : memref<1x128xi32, #tpu.memory_space<vmem>> -> memref<128xi32, #tpu.memory_space<vmem>>
      %dma_start3A_207 = arith.constant 0 : i32
      %dma_start3A_208 = arith.constant 0 : i32
      %dma_start3A_209 = tpu.memref_slice %arg3[%dma_start3A_207, %dma_start3A_208] : memref<10240x128xf32, #tpu.memory_space<hbm>> -> memref<10240x128xf32, #tpu.memory_space<hbm>>
      tpu.enqueue_indirect_dma source(%dma_start3A_209 : memref<10240x128xf32, #tpu.memory_space<hbm>>) target(%arg8 : memref<128x128xf32, #tpu.memory_space<vmem>>) offsets(%dma_start3A_206 : memref<128xi32, #tpu.memory_space<vmem>>) semaphore(%arg10 : memref<!tpu.dma_semaphore, #tpu.memory_space<semaphore_mem>>)
      %dma_wait3A_210 = arith.constant 0 : i32
      %dma_wait3A_211 = tpu.memref_slice %arg5[%mul3A_201, %dma_wait3A_210] : memref<16x128xi32, #tpu.memory_space<vmem>> -> memref<1x128xi32, #tpu.memory_space<vmem>>
      %dma_wait3A_212 = tpu.memref_squeeze %dma_wait3A_211 : memref<1x128xi32, #tpu.memory_space<vmem>> -> memref<128xi32, #tpu.memory_space<vmem>>
      %dma_wait3A_213 = arith.constant 0 : i32
      %dma_wait3A_214 = arith.constant 0 : i32
      %dma_wait3A_215 = tpu.memref_slice %arg3[%dma_wait3A_213, %dma_wait3A_214] : memref<10240x128xf32, #tpu.memory_space<hbm>> -> memref<10240x128xf32, #tpu.memory_space<hbm>>
      tpu.wait_indirect_dma semaphore(%arg9 : memref<!tpu.dma_semaphore, #tpu.memory_space<semaphore_mem>>) src(%dma_wait3A_215 : memref<10240x128xf32, #tpu.memory_space<hbm>>) dst(%arg7 : memref<128x128xf32, #tpu.memory_space<vmem>>)
      %mul3A_216 = arith.constant 128 : i32
      %mul3A_217 = arith.muli %mul3A_201, %mul3A_216 : i32
      %add3A_218 = arith.addi %add3A_86, %mul3A_217 : i32
      "tpu.region"() ({
        %run_scoped3A = tpu.sem_alloc : memref<!tpu.dma_semaphore, #tpu.memory_space<semaphore_mem>>
        %dma_start3A_240 = arith.constant 0 : i32
        %dma_start3A_241 = tpu.memref_slice %arg4[%add3A_218, %dma_start3A_240] : memref<327680x128xf32, #tpu.memory_space<hbm>> -> memref<128x128xf32, #tpu.memory_space<hbm>>
        %dma_start3A_242 = arith.constant 0 : i32
        %dma_start3A_243 = tpu.memref_slice %arg4[%add3A_218, %dma_start3A_242] : memref<327680x128xf32, #tpu.memory_space<hbm>> -> memref<128x128xf32, #tpu.memory_space<hbm>>
        tpu.enqueue_dma source(%arg7 : memref<128x128xf32, #tpu.memory_space<vmem>>) target(%dma_start3A_243 : memref<128x128xf32, #tpu.memory_space<hbm>>) target_semaphore(%run_scoped3A : memref<!tpu.dma_semaphore, #tpu.memory_space<semaphore_mem>>)
        %dma_wait3A_244 = arith.constant 0 : i32
        %dma_wait3A_245 = tpu.memref_slice %arg4[%add3A_218, %dma_wait3A_244] : memref<327680x128xf32, #tpu.memory_space<hbm>> -> memref<128x128xf32, #tpu.memory_space<hbm>>
        %dma_wait3A_246 = arith.constant 0 : i32
        %dma_wait3A_247 = tpu.memref_slice %arg4[%add3A_218, %dma_wait3A_246] : memref<327680x128xf32, #tpu.memory_space<hbm>> -> memref<128x128xf32, #tpu.memory_space<hbm>>
        tpu.wait_dma2 semaphore(%run_scoped3A : memref<!tpu.dma_semaphore, #tpu.memory_space<semaphore_mem>>) src(%arg7 : memref<128x128xf32, #tpu.memory_space<vmem>>) dst(%dma_wait3A_247 : memref<128x128xf32, #tpu.memory_space<hbm>>)
        tpu.yield
      }) : () -> ()
      %add3A_219 = arith.constant 2 : i32
      %add3A_220 = arith.addi %mul3A_201, %add3A_219 : i32
      %dma_start3A_221 = arith.constant 0 : i32
      %dma_start3A_222 = tpu.memref_slice %arg5[%add3A_220, %dma_start3A_221] : memref<16x128xi32, #tpu.memory_space<vmem>> -> memref<1x128xi32, #tpu.memory_space<vmem>>
      %dma_start3A_223 = tpu.memref_squeeze %dma_start3A_222 : memref<1x128xi32, #tpu.memory_space<vmem>> -> memref<128xi32, #tpu.memory_space<vmem>>
      %dma_start3A_224 = arith.constant 0 : i32
      %dma_start3A_225 = arith.constant 0 : i32
      %dma_start3A_226 = tpu.memref_slice %arg3[%dma_start3A_224, %dma_start3A_225] : memref<10240x128xf32, #tpu.memory_space<hbm>> -> memref<10240x128xf32, #tpu.memory_space<hbm>>
      tpu.enqueue_indirect_dma source(%dma_start3A_226 : memref<10240x128xf32, #tpu.memory_space<hbm>>) target(%arg7 : memref<128x128xf32, #tpu.memory_space<vmem>>) offsets(%dma_start3A_223 : memref<128xi32, #tpu.memory_space<vmem>>) semaphore(%arg9 : memref<!tpu.dma_semaphore, #tpu.memory_space<semaphore_mem>>)
      %add3A_227 = arith.constant 1 : i32
      %add3A_228 = arith.addi %mul3A_201, %add3A_227 : i32
      %dma_wait3A_229 = arith.constant 0 : i32
      %dma_wait3A_230 = tpu.memref_slice %arg5[%add3A_228, %dma_wait3A_229] : memref<16x128xi32, #tpu.memory_space<vmem>> -> memref<1x128xi32, #tpu.memory_space<vmem>>
      %dma_wait3A_231 = tpu.memref_squeeze %dma_wait3A_230 : memref<1x128xi32, #tpu.memory_space<vmem>> -> memref<128xi32, #tpu.memory_space<vmem>>
      %dma_wait3A_232 = arith.constant 0 : i32
      %dma_wait3A_233 = arith.constant 0 : i32
      %dma_wait3A_234 = tpu.memref_slice %arg3[%dma_wait3A_232, %dma_wait3A_233] : memref<10240x128xf32, #tpu.memory_space<hbm>> -> memref<10240x128xf32, #tpu.memory_space<hbm>>
      tpu.wait_indirect_dma semaphore(%arg10 : memref<!tpu.dma_semaphore, #tpu.memory_space<semaphore_mem>>) src(%dma_wait3A_234 : memref<10240x128xf32, #tpu.memory_space<hbm>>) dst(%arg8 : memref<128x128xf32, #tpu.memory_space<vmem>>)
      %add3A_235 = arith.constant 1 : i32
      %add3A_236 = arith.addi %mul3A_201, %add3A_235 : i32
      %mul3A_237 = arith.constant 128 : i32
      %mul3A_238 = arith.muli %add3A_236, %mul3A_237 : i32
      %add3A_239 = arith.addi %add3A_86, %mul3A_238 : i32
      "tpu.region"() ({
        %run_scoped3A = tpu.sem_alloc : memref<!tpu.dma_semaphore, #tpu.memory_space<semaphore_mem>>
        %dma_start3A_240 = arith.constant 0 : i32
        %dma_start3A_241 = tpu.memref_slice %arg4[%add3A_239, %dma_start3A_240] : memref<327680x128xf32, #tpu.memory_space<hbm>> -> memref<128x128xf32, #tpu.memory_space<hbm>>
        %dma_start3A_242 = arith.constant 0 : i32
        %dma_start3A_243 = tpu.memref_slice %arg4[%add3A_239, %dma_start3A_242] : memref<327680x128xf32, #tpu.memory_space<hbm>> -> memref<128x128xf32, #tpu.memory_space<hbm>>
        tpu.enqueue_dma source(%arg8 : memref<128x128xf32, #tpu.memory_space<vmem>>) target(%dma_start3A_243 : memref<128x128xf32, #tpu.memory_space<hbm>>) target_semaphore(%run_scoped3A : memref<!tpu.dma_semaphore, #tpu.memory_space<semaphore_mem>>)
        %dma_wait3A_244 = arith.constant 0 : i32
        %dma_wait3A_245 = tpu.memref_slice %arg4[%add3A_239, %dma_wait3A_244] : memref<327680x128xf32, #tpu.memory_space<hbm>> -> memref<128x128xf32, #tpu.memory_space<hbm>>
        %dma_wait3A_246 = arith.constant 0 : i32
        %dma_wait3A_247 = tpu.memref_slice %arg4[%add3A_239, %dma_wait3A_246] : memref<327680x128xf32, #tpu.memory_space<hbm>> -> memref<128x128xf32, #tpu.memory_space<hbm>>
        tpu.wait_dma2 semaphore(%run_scoped3A : memref<!tpu.dma_semaphore, #tpu.memory_space<semaphore_mem>>) src(%arg8 : memref<128x128xf32, #tpu.memory_space<vmem>>) dst(%dma_wait3A_247 : memref<128x128xf32, #tpu.memory_space<hbm>>)
        tpu.yield
      }) : () -> ()
    }
    %scan3A_91 = arith.constant 7 : i32
    %dma_start3A_92 = arith.constant 15 : i32
    %dma_start3A_93 = arith.constant 0 : i32
    %dma_start3A_94 = tpu.memref_slice %arg5[%dma_start3A_92, %dma_start3A_93] : memref<16x128xi32, #tpu.memory_space<vmem>> -> memref<1x128xi32, #tpu.memory_space<vmem>>
    %dma_start3A_95 = tpu.memref_squeeze %dma_start3A_94 : memref<1x128xi32, #tpu.memory_space<vmem>> -> memref<128xi32, #tpu.memory_space<vmem>>
    %dma_start3A_96 = arith.constant 0 : i32
    %dma_start3A_97 = arith.constant 0 : i32
    %dma_start3A_98 = tpu.memref_slice %arg3[%dma_start3A_96, %dma_start3A_97] : memref<10240x128xf32, #tpu.memory_space<hbm>> -> memref<10240x128xf32, #tpu.memory_space<hbm>>
    tpu.enqueue_indirect_dma source(%dma_start3A_98 : memref<10240x128xf32, #tpu.memory_space<hbm>>) target(%arg8 : memref<128x128xf32, #tpu.memory_space<vmem>>) offsets(%dma_start3A_95 : memref<128xi32, #tpu.memory_space<vmem>>) semaphore(%arg10 : memref<!tpu.dma_semaphore, #tpu.memory_space<semaphore_mem>>)
    %dma_wait3A_99 = arith.constant 14 : i32
    %dma_wait3A_100 = arith.constant 0 : i32
    %dma_wait3A_101 = tpu.memref_slice %arg5[%dma_wait3A_99, %dma_wait3A_100] : memref<16x128xi32, #tpu.memory_space<vmem>> -> memref<1x128xi32, #tpu.memory_space<vmem>>
    %dma_wait3A_102 = tpu.memref_squeeze %dma_wait3A_101 : memref<1x128xi32, #tpu.memory_space<vmem>> -> memref<128xi32, #tpu.memory_space<vmem>>
    %dma_wait3A_103 = arith.constant 0 : i32
    %dma_wait3A_104 = arith.constant 0 : i32
    %dma_wait3A_105 = tpu.memref_slice %arg3[%dma_wait3A_103, %dma_wait3A_104] : memref<10240x128xf32, #tpu.memory_space<hbm>> -> memref<10240x128xf32, #tpu.memory_space<hbm>>
    tpu.wait_indirect_dma semaphore(%arg9 : memref<!tpu.dma_semaphore, #tpu.memory_space<semaphore_mem>>) src(%dma_wait3A_105 : memref<10240x128xf32, #tpu.memory_space<hbm>>) dst(%arg7 : memref<128x128xf32, #tpu.memory_space<vmem>>)
    %add3A_106 = arith.constant 1792 : i32
    %add3A_107 = arith.addi %add3A_86, %add3A_106 : i32
    "tpu.region"() ({
      %run_scoped3A = tpu.sem_alloc : memref<!tpu.dma_semaphore, #tpu.memory_space<semaphore_mem>>
      %dma_start3A_195 = arith.constant 0 : i32
      %dma_start3A_196 = tpu.memref_slice %arg4[%add3A_107, %dma_start3A_195] : memref<327680x128xf32, #tpu.memory_space<hbm>> -> memref<128x128xf32, #tpu.memory_space<hbm>>
      %dma_start3A_197 = arith.constant 0 : i32
      %dma_start3A_198 = tpu.memref_slice %arg4[%add3A_107, %dma_start3A_197] : memref<327680x128xf32, #tpu.memory_space<hbm>> -> memref<128x128xf32, #tpu.memory_space<hbm>>
      tpu.enqueue_dma source(%arg7 : memref<128x128xf32, #tpu.memory_space<vmem>>) target(%dma_start3A_198 : memref<128x128xf32, #tpu.memory_space<hbm>>) target_semaphore(%run_scoped3A : memref<!tpu.dma_semaphore, #tpu.memory_space<semaphore_mem>>)
      %dma_wait3A_199 = arith.constant 0 : i32
      %dma_wait3A_200 = tpu.memref_slice %arg4[%add3A_107, %dma_wait3A_199] : memref<327680x128xf32, #tpu.memory_space<hbm>> -> memref<128x128xf32, #tpu.memory_space<hbm>>
      %dma_wait3A_201 = arith.constant 0 : i32
      %dma_wait3A_202 = tpu.memref_slice %arg4[%add3A_107, %dma_wait3A_201] : memref<327680x128xf32, #tpu.memory_space<hbm>> -> memref<128x128xf32, #tpu.memory_space<hbm>>
      tpu.wait_dma2 semaphore(%run_scoped3A : memref<!tpu.dma_semaphore, #tpu.memory_space<semaphore_mem>>) src(%arg7 : memref<128x128xf32, #tpu.memory_space<vmem>>) dst(%dma_wait3A_202 : memref<128x128xf32, #tpu.memory_space<hbm>>)
      tpu.yield
    }) : () -> ()
    %dma_start3A_108 = arith.constant 0 : i32
    %dma_start3A_109 = arith.constant 0 : i32
    %dma_start3A_110 = tpu.memref_slice %arg6[%dma_start3A_108, %dma_start3A_109] : memref<16x128xi32, #tpu.memory_space<vmem>> -> memref<1x128xi32, #tpu.memory_space<vmem>>
    %dma_start3A_111 = tpu.memref_squeeze %dma_start3A_110 : memref<1x128xi32, #tpu.memory_space<vmem>> -> memref<128xi32, #tpu.memory_space<vmem>>
    %dma_start3A_112 = arith.constant 0 : i32
    %dma_start3A_113 = arith.constant 0 : i32
    %dma_start3A_114 = tpu.memref_slice %arg3[%dma_start3A_112, %dma_start3A_113] : memref<10240x128xf32, #tpu.memory_space<hbm>> -> memref<10240x128xf32, #tpu.memory_space<hbm>>
    tpu.enqueue_indirect_dma source(%dma_start3A_114 : memref<10240x128xf32, #tpu.memory_space<hbm>>) target(%arg7 : memref<128x128xf32, #tpu.memory_space<vmem>>) offsets(%dma_start3A_111 : memref<128xi32, #tpu.memory_space<vmem>>) semaphore(%arg9 : memref<!tpu.dma_semaphore, #tpu.memory_space<semaphore_mem>>)
    %dma_wait3A_115 = arith.constant 15 : i32
    %dma_wait3A_116 = arith.constant 0 : i32
    %dma_wait3A_117 = tpu.memref_slice %arg5[%dma_wait3A_115, %dma_wait3A_116] : memref<16x128xi32, #tpu.memory_space<vmem>> -> memref<1x128xi32, #tpu.memory_space<vmem>>
    %dma_wait3A_118 = tpu.memref_squeeze %dma_wait3A_117 : memref<1x128xi32, #tpu.memory_space<vmem>> -> memref<128xi32, #tpu.memory_space<vmem>>
    %dma_wait3A_119 = arith.constant 0 : i32
    %dma_wait3A_120 = arith.constant 0 : i32
    %dma_wait3A_121 = tpu.memref_slice %arg3[%dma_wait3A_119, %dma_wait3A_120] : memref<10240x128xf32, #tpu.memory_space<hbm>> -> memref<10240x128xf32, #tpu.memory_space<hbm>>
    tpu.wait_indirect_dma semaphore(%arg10 : memref<!tpu.dma_semaphore, #tpu.memory_space<semaphore_mem>>) src(%dma_wait3A_121 : memref<10240x128xf32, #tpu.memory_space<hbm>>) dst(%arg8 : memref<128x128xf32, #tpu.memory_space<vmem>>)
    %add3A_122 = arith.constant 1920 : i32
    %add3A_123 = arith.addi %add3A_86, %add3A_122 : i32
    "tpu.region"() ({
      %run_scoped3A = tpu.sem_alloc : memref<!tpu.dma_semaphore, #tpu.memory_space<semaphore_mem>>
      %dma_start3A_195 = arith.constant 0 : i32
      %dma_start3A_196 = tpu.memref_slice %arg4[%add3A_123, %dma_start3A_195] : memref<327680x128xf32, #tpu.memory_space<hbm>> -> memref<128x128xf32, #tpu.memory_space<hbm>>
      %dma_start3A_197 = arith.constant 0 : i32
      %dma_start3A_198 = tpu.memref_slice %arg4[%add3A_123, %dma_start3A_197] : memref<327680x128xf32, #tpu.memory_space<hbm>> -> memref<128x128xf32, #tpu.memory_space<hbm>>
      tpu.enqueue_dma source(%arg8 : memref<128x128xf32, #tpu.memory_space<vmem>>) target(%dma_start3A_198 : memref<128x128xf32, #tpu.memory_space<hbm>>) target_semaphore(%run_scoped3A : memref<!tpu.dma_semaphore, #tpu.memory_space<semaphore_mem>>)
      %dma_wait3A_199 = arith.constant 0 : i32
      %dma_wait3A_200 = tpu.memref_slice %arg4[%add3A_123, %dma_wait3A_199] : memref<327680x128xf32, #tpu.memory_space<hbm>> -> memref<128x128xf32, #tpu.memory_space<hbm>>
      %dma_wait3A_201 = arith.constant 0 : i32
      %dma_wait3A_202 = tpu.memref_slice %arg4[%add3A_123, %dma_wait3A_201] : memref<327680x128xf32, #tpu.memory_space<hbm>> -> memref<128x128xf32, #tpu.memory_space<hbm>>
      tpu.wait_dma2 semaphore(%run_scoped3A : memref<!tpu.dma_semaphore, #tpu.memory_space<semaphore_mem>>) src(%arg8 : memref<128x128xf32, #tpu.memory_space<vmem>>) dst(%dma_wait3A_202 : memref<128x128xf32, #tpu.memory_space<hbm>>)
      tpu.yield
    }) : () -> ()
    %add3A_124 = arith.constant 6144 : i32
    %add3A_125 = arith.addi %mul3A_2, %add3A_124 : i32
    "tpu.region"() ({
      %run_scoped3A = tpu.sem_alloc : memref<!tpu.dma_semaphore, #tpu.memory_space<semaphore_mem>>
      %dma_start3A_195 = arith.constant 64 : i32
      %dma_start3A_196 = arith.constant 0 : i32
      %dma_start3A_197 = tpu.memref_slice %arg2[%add3A, %dma_start3A_195, %dma_start3A_196] : memref<32x80x128xi32, #tpu.memory_space<hbm>> -> memref<1x16x128xi32, #tpu.memory_space<hbm>>
      %dma_start3A_198 = tpu.memref_squeeze %dma_start3A_197 : memref<1x16x128xi32, #tpu.memory_space<hbm>> -> memref<16x128xi32, #tpu.memory_space<hbm>>
      %dma_start3A_199 = arith.constant 64 : i32
      %dma_start3A_200 = arith.constant 0 : i32
      %dma_start3A_201 = tpu.memref_slice %arg2[%add3A, %dma_start3A_199, %dma_start3A_200] : memref<32x80x128xi32, #tpu.memory_space<hbm>> -> memref<1x16x128xi32, #tpu.memory_space<hbm>>
      %dma_start3A_202 = tpu.memref_squeeze %dma_start3A_201 : memref<1x16x128xi32, #tpu.memory_space<hbm>> -> memref<16x128xi32, #tpu.memory_space<hbm>>
      tpu.enqueue_dma source(%dma_start3A_202 : memref<16x128xi32, #tpu.memory_space<hbm>>) target(%arg5 : memref<16x128xi32, #tpu.memory_space<vmem>>) target_semaphore(%run_scoped3A : memref<!tpu.dma_semaphore, #tpu.memory_space<semaphore_mem>>)
      %dma_wait3A_203 = arith.constant 64 : i32
      %dma_wait3A_204 = arith.constant 0 : i32
      %dma_wait3A_205 = tpu.memref_slice %arg2[%add3A, %dma_wait3A_203, %dma_wait3A_204] : memref<32x80x128xi32, #tpu.memory_space<hbm>> -> memref<1x16x128xi32, #tpu.memory_space<hbm>>
      %dma_wait3A_206 = tpu.memref_squeeze %dma_wait3A_205 : memref<1x16x128xi32, #tpu.memory_space<hbm>> -> memref<16x128xi32, #tpu.memory_space<hbm>>
      %dma_wait3A_207 = arith.constant 64 : i32
      %dma_wait3A_208 = arith.constant 0 : i32
      %dma_wait3A_209 = tpu.memref_slice %arg2[%add3A, %dma_wait3A_207, %dma_wait3A_208] : memref<32x80x128xi32, #tpu.memory_space<hbm>> -> memref<1x16x128xi32, #tpu.memory_space<hbm>>
      %dma_wait3A_210 = tpu.memref_squeeze %dma_wait3A_209 : memref<1x16x128xi32, #tpu.memory_space<hbm>> -> memref<16x128xi32, #tpu.memory_space<hbm>>
      tpu.wait_dma2 semaphore(%run_scoped3A : memref<!tpu.dma_semaphore, #tpu.memory_space<semaphore_mem>>) src(%dma_wait3A_210 : memref<16x128xi32, #tpu.memory_space<hbm>>) dst(%arg5 : memref<16x128xi32, #tpu.memory_space<vmem>>)
      tpu.yield
    }) : () -> ()
    %scan3A_126 = arith.constant 0 : i32
    %scan3A_127 = arith.constant 7 : i32
    %scan3A_128 = arith.addi %scan3A_126, %scan3A_127 : i32
    %scan3A_129 = arith.constant 1 : i32
    scf.for %scan3A_195 = %scan3A_126 to %scan3A_128 step %scan3A_129  : i32 {
      %mul3A_196 = arith.constant 1 : i32
      %mul3A_197 = arith.muli %scan3A_195, %mul3A_196 : i32
      %add3A_198 = arith.constant 0 : i32
      %add3A_199 = arith.addi %add3A_198, %mul3A_197 : i32
      %mul3A_200 = arith.constant 2 : i32
      %mul3A_201 = arith.muli %mul3A_200, %add3A_199 : i32
      %add3A_202 = arith.constant 1 : i32
      %add3A_203 = arith.addi %mul3A_201, %add3A_202 : i32
      %dma_start3A_204 = arith.constant 0 : i32
      %dma_start3A_205 = tpu.memref_slice %arg6[%add3A_203, %dma_start3A_204] : memref<16x128xi32, #tpu.memory_space<vmem>> -> memref<1x128xi32, #tpu.memory_space<vmem>>
      %dma_start3A_206 = tpu.memref_squeeze %dma_start3A_205 : memref<1x128xi32, #tpu.memory_space<vmem>> -> memref<128xi32, #tpu.memory_space<vmem>>
      %dma_start3A_207 = arith.constant 0 : i32
      %dma_start3A_208 = arith.constant 0 : i32
      %dma_start3A_209 = tpu.memref_slice %arg3[%dma_start3A_207, %dma_start3A_208] : memref<10240x128xf32, #tpu.memory_space<hbm>> -> memref<10240x128xf32, #tpu.memory_space<hbm>>
      tpu.enqueue_indirect_dma source(%dma_start3A_209 : memref<10240x128xf32, #tpu.memory_space<hbm>>) target(%arg8 : memref<128x128xf32, #tpu.memory_space<vmem>>) offsets(%dma_start3A_206 : memref<128xi32, #tpu.memory_space<vmem>>) semaphore(%arg10 : memref<!tpu.dma_semaphore, #tpu.memory_space<semaphore_mem>>)
      %dma_wait3A_210 = arith.constant 0 : i32
      %dma_wait3A_211 = tpu.memref_slice %arg6[%mul3A_201, %dma_wait3A_210] : memref<16x128xi32, #tpu.memory_space<vmem>> -> memref<1x128xi32, #tpu.memory_space<vmem>>
      %dma_wait3A_212 = tpu.memref_squeeze %dma_wait3A_211 : memref<1x128xi32, #tpu.memory_space<vmem>> -> memref<128xi32, #tpu.memory_space<vmem>>
      %dma_wait3A_213 = arith.constant 0 : i32
      %dma_wait3A_214 = arith.constant 0 : i32
      %dma_wait3A_215 = tpu.memref_slice %arg3[%dma_wait3A_213, %dma_wait3A_214] : memref<10240x128xf32, #tpu.memory_space<hbm>> -> memref<10240x128xf32, #tpu.memory_space<hbm>>
      tpu.wait_indirect_dma semaphore(%arg9 : memref<!tpu.dma_semaphore, #tpu.memory_space<semaphore_mem>>) src(%dma_wait3A_215 : memref<10240x128xf32, #tpu.memory_space<hbm>>) dst(%arg7 : memref<128x128xf32, #tpu.memory_space<vmem>>)
      %mul3A_216 = arith.constant 128 : i32
      %mul3A_217 = arith.muli %mul3A_201, %mul3A_216 : i32
      %add3A_218 = arith.addi %add3A_125, %mul3A_217 : i32
      "tpu.region"() ({
        %run_scoped3A = tpu.sem_alloc : memref<!tpu.dma_semaphore, #tpu.memory_space<semaphore_mem>>
        %dma_start3A_240 = arith.constant 0 : i32
        %dma_start3A_241 = tpu.memref_slice %arg4[%add3A_218, %dma_start3A_240] : memref<327680x128xf32, #tpu.memory_space<hbm>> -> memref<128x128xf32, #tpu.memory_space<hbm>>
        %dma_start3A_242 = arith.constant 0 : i32
        %dma_start3A_243 = tpu.memref_slice %arg4[%add3A_218, %dma_start3A_242] : memref<327680x128xf32, #tpu.memory_space<hbm>> -> memref<128x128xf32, #tpu.memory_space<hbm>>
        tpu.enqueue_dma source(%arg7 : memref<128x128xf32, #tpu.memory_space<vmem>>) target(%dma_start3A_243 : memref<128x128xf32, #tpu.memory_space<hbm>>) target_semaphore(%run_scoped3A : memref<!tpu.dma_semaphore, #tpu.memory_space<semaphore_mem>>)
        %dma_wait3A_244 = arith.constant 0 : i32
        %dma_wait3A_245 = tpu.memref_slice %arg4[%add3A_218, %dma_wait3A_244] : memref<327680x128xf32, #tpu.memory_space<hbm>> -> memref<128x128xf32, #tpu.memory_space<hbm>>
        %dma_wait3A_246 = arith.constant 0 : i32
        %dma_wait3A_247 = tpu.memref_slice %arg4[%add3A_218, %dma_wait3A_246] : memref<327680x128xf32, #tpu.memory_space<hbm>> -> memref<128x128xf32, #tpu.memory_space<hbm>>
        tpu.wait_dma2 semaphore(%run_scoped3A : memref<!tpu.dma_semaphore, #tpu.memory_space<semaphore_mem>>) src(%arg7 : memref<128x128xf32, #tpu.memory_space<vmem>>) dst(%dma_wait3A_247 : memref<128x128xf32, #tpu.memory_space<hbm>>)
        tpu.yield
      }) : () -> ()
      %add3A_219 = arith.constant 2 : i32
      %add3A_220 = arith.addi %mul3A_201, %add3A_219 : i32
      %dma_start3A_221 = arith.constant 0 : i32
      %dma_start3A_222 = tpu.memref_slice %arg6[%add3A_220, %dma_start3A_221] : memref<16x128xi32, #tpu.memory_space<vmem>> -> memref<1x128xi32, #tpu.memory_space<vmem>>
      %dma_start3A_223 = tpu.memref_squeeze %dma_start3A_222 : memref<1x128xi32, #tpu.memory_space<vmem>> -> memref<128xi32, #tpu.memory_space<vmem>>
      %dma_start3A_224 = arith.constant 0 : i32
      %dma_start3A_225 = arith.constant 0 : i32
      %dma_start3A_226 = tpu.memref_slice %arg3[%dma_start3A_224, %dma_start3A_225] : memref<10240x128xf32, #tpu.memory_space<hbm>> -> memref<10240x128xf32, #tpu.memory_space<hbm>>
      tpu.enqueue_indirect_dma source(%dma_start3A_226 : memref<10240x128xf32, #tpu.memory_space<hbm>>) target(%arg7 : memref<128x128xf32, #tpu.memory_space<vmem>>) offsets(%dma_start3A_223 : memref<128xi32, #tpu.memory_space<vmem>>) semaphore(%arg9 : memref<!tpu.dma_semaphore, #tpu.memory_space<semaphore_mem>>)
      %add3A_227 = arith.constant 1 : i32
      %add3A_228 = arith.addi %mul3A_201, %add3A_227 : i32
      %dma_wait3A_229 = arith.constant 0 : i32
      %dma_wait3A_230 = tpu.memref_slice %arg6[%add3A_228, %dma_wait3A_229] : memref<16x128xi32, #tpu.memory_space<vmem>> -> memref<1x128xi32, #tpu.memory_space<vmem>>
      %dma_wait3A_231 = tpu.memref_squeeze %dma_wait3A_230 : memref<1x128xi32, #tpu.memory_space<vmem>> -> memref<128xi32, #tpu.memory_space<vmem>>
      %dma_wait3A_232 = arith.constant 0 : i32
      %dma_wait3A_233 = arith.constant 0 : i32
      %dma_wait3A_234 = tpu.memref_slice %arg3[%dma_wait3A_232, %dma_wait3A_233] : memref<10240x128xf32, #tpu.memory_space<hbm>> -> memref<10240x128xf32, #tpu.memory_space<hbm>>
      tpu.wait_indirect_dma semaphore(%arg10 : memref<!tpu.dma_semaphore, #tpu.memory_space<semaphore_mem>>) src(%dma_wait3A_234 : memref<10240x128xf32, #tpu.memory_space<hbm>>) dst(%arg8 : memref<128x128xf32, #tpu.memory_space<vmem>>)
      %add3A_235 = arith.constant 1 : i32
      %add3A_236 = arith.addi %mul3A_201, %add3A_235 : i32
      %mul3A_237 = arith.constant 128 : i32
      %mul3A_238 = arith.muli %add3A_236, %mul3A_237 : i32
      %add3A_239 = arith.addi %add3A_125, %mul3A_238 : i32
      "tpu.region"() ({
        %run_scoped3A = tpu.sem_alloc : memref<!tpu.dma_semaphore, #tpu.memory_space<semaphore_mem>>
        %dma_start3A_240 = arith.constant 0 : i32
        %dma_start3A_241 = tpu.memref_slice %arg4[%add3A_239, %dma_start3A_240] : memref<327680x128xf32, #tpu.memory_space<hbm>> -> memref<128x128xf32, #tpu.memory_space<hbm>>
        %dma_start3A_242 = arith.constant 0 : i32
        %dma_start3A_243 = tpu.memref_slice %arg4[%add3A_239, %dma_start3A_242] : memref<327680x128xf32, #tpu.memory_space<hbm>> -> memref<128x128xf32, #tpu.memory_space<hbm>>
        tpu.enqueue_dma source(%arg8 : memref<128x128xf32, #tpu.memory_space<vmem>>) target(%dma_start3A_243 : memref<128x128xf32, #tpu.memory_space<hbm>>) target_semaphore(%run_scoped3A : memref<!tpu.dma_semaphore, #tpu.memory_space<semaphore_mem>>)
        %dma_wait3A_244 = arith.constant 0 : i32
        %dma_wait3A_245 = tpu.memref_slice %arg4[%add3A_239, %dma_wait3A_244] : memref<327680x128xf32, #tpu.memory_space<hbm>> -> memref<128x128xf32, #tpu.memory_space<hbm>>
        %dma_wait3A_246 = arith.constant 0 : i32
        %dma_wait3A_247 = tpu.memref_slice %arg4[%add3A_239, %dma_wait3A_246] : memref<327680x128xf32, #tpu.memory_space<hbm>> -> memref<128x128xf32, #tpu.memory_space<hbm>>
        tpu.wait_dma2 semaphore(%run_scoped3A : memref<!tpu.dma_semaphore, #tpu.memory_space<semaphore_mem>>) src(%arg8 : memref<128x128xf32, #tpu.memory_space<vmem>>) dst(%dma_wait3A_247 : memref<128x128xf32, #tpu.memory_space<hbm>>)
        tpu.yield
      }) : () -> ()
    }
    %scan3A_130 = arith.constant 7 : i32
    %dma_start3A_131 = arith.constant 15 : i32
    %dma_start3A_132 = arith.constant 0 : i32
    %dma_start3A_133 = tpu.memref_slice %arg6[%dma_start3A_131, %dma_start3A_132] : memref<16x128xi32, #tpu.memory_space<vmem>> -> memref<1x128xi32, #tpu.memory_space<vmem>>
    %dma_start3A_134 = tpu.memref_squeeze %dma_start3A_133 : memref<1x128xi32, #tpu.memory_space<vmem>> -> memref<128xi32, #tpu.memory_space<vmem>>
    %dma_start3A_135 = arith.constant 0 : i32
    %dma_start3A_136 = arith.constant 0 : i32
    %dma_start3A_137 = tpu.memref_slice %arg3[%dma_start3A_135, %dma_start3A_136] : memref<10240x128xf32, #tpu.memory_space<hbm>> -> memref<10240x128xf32, #tpu.memory_space<hbm>>
    tpu.enqueue_indirect_dma source(%dma_start3A_137 : memref<10240x128xf32, #tpu.memory_space<hbm>>) target(%arg8 : memref<128x128xf32, #tpu.memory_space<vmem>>) offsets(%dma_start3A_134 : memref<128xi32, #tpu.memory_space<vmem>>) semaphore(%arg10 : memref<!tpu.dma_semaphore, #tpu.memory_space<semaphore_mem>>)
    %dma_wait3A_138 = arith.constant 14 : i32
    %dma_wait3A_139 = arith.constant 0 : i32
    %dma_wait3A_140 = tpu.memref_slice %arg6[%dma_wait3A_138, %dma_wait3A_139] : memref<16x128xi32, #tpu.memory_space<vmem>> -> memref<1x128xi32, #tpu.memory_space<vmem>>
    %dma_wait3A_141 = tpu.memref_squeeze %dma_wait3A_140 : memref<1x128xi32, #tpu.memory_space<vmem>> -> memref<128xi32, #tpu.memory_space<vmem>>
    %dma_wait3A_142 = arith.constant 0 : i32
    %dma_wait3A_143 = arith.constant 0 : i32
    %dma_wait3A_144 = tpu.memref_slice %arg3[%dma_wait3A_142, %dma_wait3A_143] : memref<10240x128xf32, #tpu.memory_space<hbm>> -> memref<10240x128xf32, #tpu.memory_space<hbm>>
    tpu.wait_indirect_dma semaphore(%arg9 : memref<!tpu.dma_semaphore, #tpu.memory_space<semaphore_mem>>) src(%dma_wait3A_144 : memref<10240x128xf32, #tpu.memory_space<hbm>>) dst(%arg7 : memref<128x128xf32, #tpu.memory_space<vmem>>)
    %add3A_145 = arith.constant 1792 : i32
    %add3A_146 = arith.addi %add3A_125, %add3A_145 : i32
    "tpu.region"() ({
      %run_scoped3A = tpu.sem_alloc : memref<!tpu.dma_semaphore, #tpu.memory_space<semaphore_mem>>
      %dma_start3A_195 = arith.constant 0 : i32
      %dma_start3A_196 = tpu.memref_slice %arg4[%add3A_146, %dma_start3A_195] : memref<327680x128xf32, #tpu.memory_space<hbm>> -> memref<128x128xf32, #tpu.memory_space<hbm>>
      %dma_start3A_197 = arith.constant 0 : i32
      %dma_start3A_198 = tpu.memref_slice %arg4[%add3A_146, %dma_start3A_197] : memref<327680x128xf32, #tpu.memory_space<hbm>> -> memref<128x128xf32, #tpu.memory_space<hbm>>
      tpu.enqueue_dma source(%arg7 : memref<128x128xf32, #tpu.memory_space<vmem>>) target(%dma_start3A_198 : memref<128x128xf32, #tpu.memory_space<hbm>>) target_semaphore(%run_scoped3A : memref<!tpu.dma_semaphore, #tpu.memory_space<semaphore_mem>>)
      %dma_wait3A_199 = arith.constant 0 : i32
      %dma_wait3A_200 = tpu.memref_slice %arg4[%add3A_146, %dma_wait3A_199] : memref<327680x128xf32, #tpu.memory_space<hbm>> -> memref<128x128xf32, #tpu.memory_space<hbm>>
      %dma_wait3A_201 = arith.constant 0 : i32
      %dma_wait3A_202 = tpu.memref_slice %arg4[%add3A_146, %dma_wait3A_201] : memref<327680x128xf32, #tpu.memory_space<hbm>> -> memref<128x128xf32, #tpu.memory_space<hbm>>
      tpu.wait_dma2 semaphore(%run_scoped3A : memref<!tpu.dma_semaphore, #tpu.memory_space<semaphore_mem>>) src(%arg7 : memref<128x128xf32, #tpu.memory_space<vmem>>) dst(%dma_wait3A_202 : memref<128x128xf32, #tpu.memory_space<hbm>>)
      tpu.yield
    }) : () -> ()
    %dma_start3A_147 = arith.constant 0 : i32
    %dma_start3A_148 = arith.constant 0 : i32
    %dma_start3A_149 = tpu.memref_slice %arg5[%dma_start3A_147, %dma_start3A_148] : memref<16x128xi32, #tpu.memory_space<vmem>> -> memref<1x128xi32, #tpu.memory_space<vmem>>
    %dma_start3A_150 = tpu.memref_squeeze %dma_start3A_149 : memref<1x128xi32, #tpu.memory_space<vmem>> -> memref<128xi32, #tpu.memory_space<vmem>>
    %dma_start3A_151 = arith.constant 0 : i32
    %dma_start3A_152 = arith.constant 0 : i32
    %dma_start3A_153 = tpu.memref_slice %arg3[%dma_start3A_151, %dma_start3A_152] : memref<10240x128xf32, #tpu.memory_space<hbm>> -> memref<10240x128xf32, #tpu.memory_space<hbm>>
    tpu.enqueue_indirect_dma source(%dma_start3A_153 : memref<10240x128xf32, #tpu.memory_space<hbm>>) target(%arg7 : memref<128x128xf32, #tpu.memory_space<vmem>>) offsets(%dma_start3A_150 : memref<128xi32, #tpu.memory_space<vmem>>) semaphore(%arg9 : memref<!tpu.dma_semaphore, #tpu.memory_space<semaphore_mem>>)
    %dma_wait3A_154 = arith.constant 15 : i32
    %dma_wait3A_155 = arith.constant 0 : i32
    %dma_wait3A_156 = tpu.memref_slice %arg6[%dma_wait3A_154, %dma_wait3A_155] : memref<16x128xi32, #tpu.memory_space<vmem>> -> memref<1x128xi32, #tpu.memory_space<vmem>>
    %dma_wait3A_157 = tpu.memref_squeeze %dma_wait3A_156 : memref<1x128xi32, #tpu.memory_space<vmem>> -> memref<128xi32, #tpu.memory_space<vmem>>
    %dma_wait3A_158 = arith.constant 0 : i32
    %dma_wait3A_159 = arith.constant 0 : i32
    %dma_wait3A_160 = tpu.memref_slice %arg3[%dma_wait3A_158, %dma_wait3A_159] : memref<10240x128xf32, #tpu.memory_space<hbm>> -> memref<10240x128xf32, #tpu.memory_space<hbm>>
    tpu.wait_indirect_dma semaphore(%arg10 : memref<!tpu.dma_semaphore, #tpu.memory_space<semaphore_mem>>) src(%dma_wait3A_160 : memref<10240x128xf32, #tpu.memory_space<hbm>>) dst(%arg8 : memref<128x128xf32, #tpu.memory_space<vmem>>)
    %add3A_161 = arith.constant 1920 : i32
    %add3A_162 = arith.addi %add3A_125, %add3A_161 : i32
    "tpu.region"() ({
      %run_scoped3A = tpu.sem_alloc : memref<!tpu.dma_semaphore, #tpu.memory_space<semaphore_mem>>
      %dma_start3A_195 = arith.constant 0 : i32
      %dma_start3A_196 = tpu.memref_slice %arg4[%add3A_162, %dma_start3A_195] : memref<327680x128xf32, #tpu.memory_space<hbm>> -> memref<128x128xf32, #tpu.memory_space<hbm>>
      %dma_start3A_197 = arith.constant 0 : i32
      %dma_start3A_198 = tpu.memref_slice %arg4[%add3A_162, %dma_start3A_197] : memref<327680x128xf32, #tpu.memory_space<hbm>> -> memref<128x128xf32, #tpu.memory_space<hbm>>
      tpu.enqueue_dma source(%arg8 : memref<128x128xf32, #tpu.memory_space<vmem>>) target(%dma_start3A_198 : memref<128x128xf32, #tpu.memory_space<hbm>>) target_semaphore(%run_scoped3A : memref<!tpu.dma_semaphore, #tpu.memory_space<semaphore_mem>>)
      %dma_wait3A_199 = arith.constant 0 : i32
      %dma_wait3A_200 = tpu.memref_slice %arg4[%add3A_162, %dma_wait3A_199] : memref<327680x128xf32, #tpu.memory_space<hbm>> -> memref<128x128xf32, #tpu.memory_space<hbm>>
      %dma_wait3A_201 = arith.constant 0 : i32
      %dma_wait3A_202 = tpu.memref_slice %arg4[%add3A_162, %dma_wait3A_201] : memref<327680x128xf32, #tpu.memory_space<hbm>> -> memref<128x128xf32, #tpu.memory_space<hbm>>
      tpu.wait_dma2 semaphore(%run_scoped3A : memref<!tpu.dma_semaphore, #tpu.memory_space<semaphore_mem>>) src(%arg8 : memref<128x128xf32, #tpu.memory_space<vmem>>) dst(%dma_wait3A_202 : memref<128x128xf32, #tpu.memory_space<hbm>>)
      tpu.yield
    }) : () -> ()
    %add3A_163 = arith.constant 8192 : i32
    %add3A_164 = arith.addi %mul3A_2, %add3A_163 : i32
    %scan3A_165 = arith.constant 0 : i32
    %scan3A_166 = arith.constant 7 : i32
    %scan3A_167 = arith.addi %scan3A_165, %scan3A_166 : i32
    %scan3A_168 = arith.constant 1 : i32
    scf.for %scan3A_195 = %scan3A_165 to %scan3A_167 step %scan3A_168  : i32 {
      %mul3A_196 = arith.constant 1 : i32
      %mul3A_197 = arith.muli %scan3A_195, %mul3A_196 : i32
      %add3A_198 = arith.constant 0 : i32
      %add3A_199 = arith.addi %add3A_198, %mul3A_197 : i32
      %mul3A_200 = arith.constant 2 : i32
      %mul3A_201 = arith.muli %mul3A_200, %add3A_199 : i32
      %add3A_202 = arith.constant 1 : i32
      %add3A_203 = arith.addi %mul3A_201, %add3A_202 : i32
      %dma_start3A_204 = arith.constant 0 : i32
      %dma_start3A_205 = tpu.memref_slice %arg5[%add3A_203, %dma_start3A_204] : memref<16x128xi32, #tpu.memory_space<vmem>> -> memref<1x128xi32, #tpu.memory_space<vmem>>
      %dma_start3A_206 = tpu.memref_squeeze %dma_start3A_205 : memref<1x128xi32, #tpu.memory_space<vmem>> -> memref<128xi32, #tpu.memory_space<vmem>>
      %dma_start3A_207 = arith.constant 0 : i32
      %dma_start3A_208 = arith.constant 0 : i32
      %dma_start3A_209 = tpu.memref_slice %arg3[%dma_start3A_207, %dma_start3A_208] : memref<10240x128xf32, #tpu.memory_space<hbm>> -> memref<10240x128xf32, #tpu.memory_space<hbm>>
      tpu.enqueue_indirect_dma source(%dma_start3A_209 : memref<10240x128xf32, #tpu.memory_space<hbm>>) target(%arg8 : memref<128x128xf32, #tpu.memory_space<vmem>>) offsets(%dma_start3A_206 : memref<128xi32, #tpu.memory_space<vmem>>) semaphore(%arg10 : memref<!tpu.dma_semaphore, #tpu.memory_space<semaphore_mem>>)
      %dma_wait3A_210 = arith.constant 0 : i32
      %dma_wait3A_211 = tpu.memref_slice %arg5[%mul3A_201, %dma_wait3A_210] : memref<16x128xi32, #tpu.memory_space<vmem>> -> memref<1x128xi32, #tpu.memory_space<vmem>>
      %dma_wait3A_212 = tpu.memref_squeeze %dma_wait3A_211 : memref<1x128xi32, #tpu.memory_space<vmem>> -> memref<128xi32, #tpu.memory_space<vmem>>
      %dma_wait3A_213 = arith.constant 0 : i32
      %dma_wait3A_214 = arith.constant 0 : i32
      %dma_wait3A_215 = tpu.memref_slice %arg3[%dma_wait3A_213, %dma_wait3A_214] : memref<10240x128xf32, #tpu.memory_space<hbm>> -> memref<10240x128xf32, #tpu.memory_space<hbm>>
      tpu.wait_indirect_dma semaphore(%arg9 : memref<!tpu.dma_semaphore, #tpu.memory_space<semaphore_mem>>) src(%dma_wait3A_215 : memref<10240x128xf32, #tpu.memory_space<hbm>>) dst(%arg7 : memref<128x128xf32, #tpu.memory_space<vmem>>)
      %mul3A_216 = arith.constant 128 : i32
      %mul3A_217 = arith.muli %mul3A_201, %mul3A_216 : i32
      %add3A_218 = arith.addi %add3A_164, %mul3A_217 : i32
      "tpu.region"() ({
        %run_scoped3A = tpu.sem_alloc : memref<!tpu.dma_semaphore, #tpu.memory_space<semaphore_mem>>
        %dma_start3A_240 = arith.constant 0 : i32
        %dma_start3A_241 = tpu.memref_slice %arg4[%add3A_218, %dma_start3A_240] : memref<327680x128xf32, #tpu.memory_space<hbm>> -> memref<128x128xf32, #tpu.memory_space<hbm>>
        %dma_start3A_242 = arith.constant 0 : i32
        %dma_start3A_243 = tpu.memref_slice %arg4[%add3A_218, %dma_start3A_242] : memref<327680x128xf32, #tpu.memory_space<hbm>> -> memref<128x128xf32, #tpu.memory_space<hbm>>
        tpu.enqueue_dma source(%arg7 : memref<128x128xf32, #tpu.memory_space<vmem>>) target(%dma_start3A_243 : memref<128x128xf32, #tpu.memory_space<hbm>>) target_semaphore(%run_scoped3A : memref<!tpu.dma_semaphore, #tpu.memory_space<semaphore_mem>>)
        %dma_wait3A_244 = arith.constant 0 : i32
        %dma_wait3A_245 = tpu.memref_slice %arg4[%add3A_218, %dma_wait3A_244] : memref<327680x128xf32, #tpu.memory_space<hbm>> -> memref<128x128xf32, #tpu.memory_space<hbm>>
        %dma_wait3A_246 = arith.constant 0 : i32
        %dma_wait3A_247 = tpu.memref_slice %arg4[%add3A_218, %dma_wait3A_246] : memref<327680x128xf32, #tpu.memory_space<hbm>> -> memref<128x128xf32, #tpu.memory_space<hbm>>
        tpu.wait_dma2 semaphore(%run_scoped3A : memref<!tpu.dma_semaphore, #tpu.memory_space<semaphore_mem>>) src(%arg7 : memref<128x128xf32, #tpu.memory_space<vmem>>) dst(%dma_wait3A_247 : memref<128x128xf32, #tpu.memory_space<hbm>>)
        tpu.yield
      }) : () -> ()
      %add3A_219 = arith.constant 2 : i32
      %add3A_220 = arith.addi %mul3A_201, %add3A_219 : i32
      %dma_start3A_221 = arith.constant 0 : i32
      %dma_start3A_222 = tpu.memref_slice %arg5[%add3A_220, %dma_start3A_221] : memref<16x128xi32, #tpu.memory_space<vmem>> -> memref<1x128xi32, #tpu.memory_space<vmem>>
      %dma_start3A_223 = tpu.memref_squeeze %dma_start3A_222 : memref<1x128xi32, #tpu.memory_space<vmem>> -> memref<128xi32, #tpu.memory_space<vmem>>
      %dma_start3A_224 = arith.constant 0 : i32
      %dma_start3A_225 = arith.constant 0 : i32
      %dma_start3A_226 = tpu.memref_slice %arg3[%dma_start3A_224, %dma_start3A_225] : memref<10240x128xf32, #tpu.memory_space<hbm>> -> memref<10240x128xf32, #tpu.memory_space<hbm>>
      tpu.enqueue_indirect_dma source(%dma_start3A_226 : memref<10240x128xf32, #tpu.memory_space<hbm>>) target(%arg7 : memref<128x128xf32, #tpu.memory_space<vmem>>) offsets(%dma_start3A_223 : memref<128xi32, #tpu.memory_space<vmem>>) semaphore(%arg9 : memref<!tpu.dma_semaphore, #tpu.memory_space<semaphore_mem>>)
      %add3A_227 = arith.constant 1 : i32
      %add3A_228 = arith.addi %mul3A_201, %add3A_227 : i32
      %dma_wait3A_229 = arith.constant 0 : i32
      %dma_wait3A_230 = tpu.memref_slice %arg5[%add3A_228, %dma_wait3A_229] : memref<16x128xi32, #tpu.memory_space<vmem>> -> memref<1x128xi32, #tpu.memory_space<vmem>>
      %dma_wait3A_231 = tpu.memref_squeeze %dma_wait3A_230 : memref<1x128xi32, #tpu.memory_space<vmem>> -> memref<128xi32, #tpu.memory_space<vmem>>
      %dma_wait3A_232 = arith.constant 0 : i32
      %dma_wait3A_233 = arith.constant 0 : i32
      %dma_wait3A_234 = tpu.memref_slice %arg3[%dma_wait3A_232, %dma_wait3A_233] : memref<10240x128xf32, #tpu.memory_space<hbm>> -> memref<10240x128xf32, #tpu.memory_space<hbm>>
      tpu.wait_indirect_dma semaphore(%arg10 : memref<!tpu.dma_semaphore, #tpu.memory_space<semaphore_mem>>) src(%dma_wait3A_234 : memref<10240x128xf32, #tpu.memory_space<hbm>>) dst(%arg8 : memref<128x128xf32, #tpu.memory_space<vmem>>)
      %add3A_235 = arith.constant 1 : i32
      %add3A_236 = arith.addi %mul3A_201, %add3A_235 : i32
      %mul3A_237 = arith.constant 128 : i32
      %mul3A_238 = arith.muli %add3A_236, %mul3A_237 : i32
      %add3A_239 = arith.addi %add3A_164, %mul3A_238 : i32
      "tpu.region"() ({
        %run_scoped3A = tpu.sem_alloc : memref<!tpu.dma_semaphore, #tpu.memory_space<semaphore_mem>>
        %dma_start3A_240 = arith.constant 0 : i32
        %dma_start3A_241 = tpu.memref_slice %arg4[%add3A_239, %dma_start3A_240] : memref<327680x128xf32, #tpu.memory_space<hbm>> -> memref<128x128xf32, #tpu.memory_space<hbm>>
        %dma_start3A_242 = arith.constant 0 : i32
        %dma_start3A_243 = tpu.memref_slice %arg4[%add3A_239, %dma_start3A_242] : memref<327680x128xf32, #tpu.memory_space<hbm>> -> memref<128x128xf32, #tpu.memory_space<hbm>>
        tpu.enqueue_dma source(%arg8 : memref<128x128xf32, #tpu.memory_space<vmem>>) target(%dma_start3A_243 : memref<128x128xf32, #tpu.memory_space<hbm>>) target_semaphore(%run_scoped3A : memref<!tpu.dma_semaphore, #tpu.memory_space<semaphore_mem>>)
        %dma_wait3A_244 = arith.constant 0 : i32
        %dma_wait3A_245 = tpu.memref_slice %arg4[%add3A_239, %dma_wait3A_244] : memref<327680x128xf32, #tpu.memory_space<hbm>> -> memref<128x128xf32, #tpu.memory_space<hbm>>
        %dma_wait3A_246 = arith.constant 0 : i32
        %dma_wait3A_247 = tpu.memref_slice %arg4[%add3A_239, %dma_wait3A_246] : memref<327680x128xf32, #tpu.memory_space<hbm>> -> memref<128x128xf32, #tpu.memory_space<hbm>>
        tpu.wait_dma2 semaphore(%run_scoped3A : memref<!tpu.dma_semaphore, #tpu.memory_space<semaphore_mem>>) src(%arg8 : memref<128x128xf32, #tpu.memory_space<vmem>>) dst(%dma_wait3A_247 : memref<128x128xf32, #tpu.memory_space<hbm>>)
        tpu.yield
      }) : () -> ()
    }
    %scan3A_169 = arith.constant 7 : i32
    %dma_start3A_170 = arith.constant 15 : i32
    %dma_start3A_171 = arith.constant 0 : i32
    %dma_start3A_172 = tpu.memref_slice %arg5[%dma_start3A_170, %dma_start3A_171] : memref<16x128xi32, #tpu.memory_space<vmem>> -> memref<1x128xi32, #tpu.memory_space<vmem>>
    %dma_start3A_173 = tpu.memref_squeeze %dma_start3A_172 : memref<1x128xi32, #tpu.memory_space<vmem>> -> memref<128xi32, #tpu.memory_space<vmem>>
    %dma_start3A_174 = arith.constant 0 : i32
    %dma_start3A_175 = arith.constant 0 : i32
    %dma_start3A_176 = tpu.memref_slice %arg3[%dma_start3A_174, %dma_start3A_175] : memref<10240x128xf32, #tpu.memory_space<hbm>> -> memref<10240x128xf32, #tpu.memory_space<hbm>>
    tpu.enqueue_indirect_dma source(%dma_start3A_176 : memref<10240x128xf32, #tpu.memory_space<hbm>>) target(%arg8 : memref<128x128xf32, #tpu.memory_space<vmem>>) offsets(%dma_start3A_173 : memref<128xi32, #tpu.memory_space<vmem>>) semaphore(%arg10 : memref<!tpu.dma_semaphore, #tpu.memory_space<semaphore_mem>>)
    %dma_wait3A_177 = arith.constant 14 : i32
    %dma_wait3A_178 = arith.constant 0 : i32
    %dma_wait3A_179 = tpu.memref_slice %arg5[%dma_wait3A_177, %dma_wait3A_178] : memref<16x128xi32, #tpu.memory_space<vmem>> -> memref<1x128xi32, #tpu.memory_space<vmem>>
    %dma_wait3A_180 = tpu.memref_squeeze %dma_wait3A_179 : memref<1x128xi32, #tpu.memory_space<vmem>> -> memref<128xi32, #tpu.memory_space<vmem>>
    %dma_wait3A_181 = arith.constant 0 : i32
    %dma_wait3A_182 = arith.constant 0 : i32
    %dma_wait3A_183 = tpu.memref_slice %arg3[%dma_wait3A_181, %dma_wait3A_182] : memref<10240x128xf32, #tpu.memory_space<hbm>> -> memref<10240x128xf32, #tpu.memory_space<hbm>>
    tpu.wait_indirect_dma semaphore(%arg9 : memref<!tpu.dma_semaphore, #tpu.memory_space<semaphore_mem>>) src(%dma_wait3A_183 : memref<10240x128xf32, #tpu.memory_space<hbm>>) dst(%arg7 : memref<128x128xf32, #tpu.memory_space<vmem>>)
    %add3A_184 = arith.constant 1792 : i32
    %add3A_185 = arith.addi %add3A_164, %add3A_184 : i32
    "tpu.region"() ({
      %run_scoped3A = tpu.sem_alloc : memref<!tpu.dma_semaphore, #tpu.memory_space<semaphore_mem>>
      %dma_start3A_195 = arith.constant 0 : i32
      %dma_start3A_196 = tpu.memref_slice %arg4[%add3A_185, %dma_start3A_195] : memref<327680x128xf32, #tpu.memory_space<hbm>> -> memref<128x128xf32, #tpu.memory_space<hbm>>
      %dma_start3A_197 = arith.constant 0 : i32
      %dma_start3A_198 = tpu.memref_slice %arg4[%add3A_185, %dma_start3A_197] : memref<327680x128xf32, #tpu.memory_space<hbm>> -> memref<128x128xf32, #tpu.memory_space<hbm>>
      tpu.enqueue_dma source(%arg7 : memref<128x128xf32, #tpu.memory_space<vmem>>) target(%dma_start3A_198 : memref<128x128xf32, #tpu.memory_space<hbm>>) target_semaphore(%run_scoped3A : memref<!tpu.dma_semaphore, #tpu.memory_space<semaphore_mem>>)
      %dma_wait3A_199 = arith.constant 0 : i32
      %dma_wait3A_200 = tpu.memref_slice %arg4[%add3A_185, %dma_wait3A_199] : memref<327680x128xf32, #tpu.memory_space<hbm>> -> memref<128x128xf32, #tpu.memory_space<hbm>>
      %dma_wait3A_201 = arith.constant 0 : i32
      %dma_wait3A_202 = tpu.memref_slice %arg4[%add3A_185, %dma_wait3A_201] : memref<327680x128xf32, #tpu.memory_space<hbm>> -> memref<128x128xf32, #tpu.memory_space<hbm>>
      tpu.wait_dma2 semaphore(%run_scoped3A : memref<!tpu.dma_semaphore, #tpu.memory_space<semaphore_mem>>) src(%arg7 : memref<128x128xf32, #tpu.memory_space<vmem>>) dst(%dma_wait3A_202 : memref<128x128xf32, #tpu.memory_space<hbm>>)
      tpu.yield
    }) : () -> ()
    %dma_wait3A_186 = arith.constant 15 : i32
    %dma_wait3A_187 = arith.constant 0 : i32
    %dma_wait3A_188 = tpu.memref_slice %arg5[%dma_wait3A_186, %dma_wait3A_187] : memref<16x128xi32, #tpu.memory_space<vmem>> -> memref<1x128xi32, #tpu.memory_space<vmem>>
    %dma_wait3A_189 = tpu.memref_squeeze %dma_wait3A_188 : memref<1x128xi32, #tpu.memory_space<vmem>> -> memref<128xi32, #tpu.memory_space<vmem>>
    %dma_wait3A_190 = arith.constant 0 : i32
    %dma_wait3A_191 = arith.constant 0 : i32
    %dma_wait3A_192 = tpu.memref_slice %arg3[%dma_wait3A_190, %dma_wait3A_191] : memref<10240x128xf32, #tpu.memory_space<hbm>> -> memref<10240x128xf32, #tpu.memory_space<hbm>>
    tpu.wait_indirect_dma semaphore(%arg10 : memref<!tpu.dma_semaphore, #tpu.memory_space<semaphore_mem>>) src(%dma_wait3A_192 : memref<10240x128xf32, #tpu.memory_space<hbm>>) dst(%arg8 : memref<128x128xf32, #tpu.memory_space<vmem>>)
    %add3A_193 = arith.constant 1920 : i32
    %add3A_194 = arith.addi %add3A_164, %add3A_193 : i32
    "tpu.region"() ({
      %run_scoped3A = tpu.sem_alloc : memref<!tpu.dma_semaphore, #tpu.memory_space<semaphore_mem>>
      %dma_start3A_195 = arith.constant 0 : i32
      %dma_start3A_196 = tpu.memref_slice %arg4[%add3A_194, %dma_start3A_195] : memref<327680x128xf32, #tpu.memory_space<hbm>> -> memref<128x128xf32, #tpu.memory_space<hbm>>
      %dma_start3A_197 = arith.constant 0 : i32
      %dma_start3A_198 = tpu.memref_slice %arg4[%add3A_194, %dma_start3A_197] : memref<327680x128xf32, #tpu.memory_space<hbm>> -> memref<128x128xf32, #tpu.memory_space<hbm>>
      tpu.enqueue_dma source(%arg8 : memref<128x128xf32, #tpu.memory_space<vmem>>) target(%dma_start3A_198 : memref<128x128xf32, #tpu.memory_space<hbm>>) target_semaphore(%run_scoped3A : memref<!tpu.dma_semaphore, #tpu.memory_space<semaphore_mem>>)
      %dma_wait3A_199 = arith.constant 0 : i32
      %dma_wait3A_200 = tpu.memref_slice %arg4[%add3A_194, %dma_wait3A_199] : memref<327680x128xf32, #tpu.memory_space<hbm>> -> memref<128x128xf32, #tpu.memory_space<hbm>>
      %dma_wait3A_201 = arith.constant 0 : i32
      %dma_wait3A_202 = tpu.memref_slice %arg4[%add3A_194, %dma_wait3A_201] : memref<327680x128xf32, #tpu.memory_space<hbm>> -> memref<128x128xf32, #tpu.memory_space<hbm>>
      tpu.wait_dma2 semaphore(%run_scoped3A : memref<!tpu.dma_semaphore, #tpu.memory_space<semaphore_mem>>) src(%arg8 : memref<128x128xf32, #tpu.memory_space<vmem>>) dst(%dma_wait3A_202 : memref<128x128xf32, #tpu.memory_space<hbm>>)
      tpu.yield
    }) : () -> ()
    return
  }
}

module attributes {stable_mosaic.version = 14 : i64} {
  func.func @_deg_body(%arg0: i32, %arg1: memref<1x1024x1xf32, #tpu.memory_space<vmem>>, %arg2: memref<128x128xf32, #tpu.memory_space<vmem>>) attributes {dimension_semantics = [#tpu.dimension_semantics<arbitrary>], iteration_bounds = array<i64: 320>, scalar_prefetch = 0 : i64, scratch_operands = 0 : i64, tpu.core_type = #tpu.core_type<tc>, window_params = [{transform_indices = @transform_0, window_bounds = array<i64: 1, 1024, 1>}, {pipeline_mode = #tpu.pipeline_mode<synchronous>, transform_indices = @transform_1, window_bounds = array<i64: 128, 128>}]} {
    %eq3A = arith.constant 0 : i32
    %eq3A_0 = arith.cmpi eq, %arg0, %eq3A : i32
    %convert_element_type3A = arith.extui %eq3A_0 : i1 to i32
    %cond3A = arith.constant 0 : i32
    %cond3A_1 = arith.cmpi ne, %convert_element_type3A, %cond3A : i32
    scf.if %cond3A_1 {
      %broadcast_in_dim3A = arith.constant 0.000000e+00 : f32
      %broadcast_in_dim3A_26 = vector.broadcast %broadcast_in_dim3A : f32 to vector<128x128xf32>
      %swap3A_27 = arith.constant 0 : index
      %swap3A_28 = arith.constant 0 : index
      %swap3A_29 = vector.load %arg2[%swap3A_27, %swap3A_28] : memref<128x128xf32, #tpu.memory_space<vmem>>, vector<128x128xf32>
      tpu.vector_store %arg2[%swap3A_27, %swap3A_28], %broadcast_in_dim3A_26 {strides = array<i32>} : memref<128x128xf32, #tpu.memory_space<vmem>>, vector<128x128xf32>,
    } else {
    }
    %get3A = arith.constant 0 : index
    %get3A_2 = arith.constant 0 : index
    %get3A_3 = arith.constant 0 : index
    %get3A_4 = vector.load %arg1[%get3A, %get3A_2, %get3A_3] : memref<1x1024x1xf32, #tpu.memory_space<vmem>>, vector<1x1024x1xf32>
    %get3A_5 = vector.shape_cast %get3A_4 : vector<1x1024x1xf32> to vector<1024x1xf32>
    %mul3A = arith.constant 7.812500e-03 : f32
    %mul3A_6 = vector.broadcast %mul3A : f32 to vector<1024x1xf32>
    %mul3A_7 = arith.mulf %get3A_5, %mul3A_6 : vector<1024x1xf32>
    %floor3A = math.floor %mul3A_7 : vector<1024x1xf32>
    %mul3A_8 = arith.constant 1.280000e+02 : f32
    %mul3A_9 = vector.broadcast %mul3A_8 : f32 to vector<1024x1xf32>
    %mul3A_10 = arith.mulf %mul3A_9, %floor3A : vector<1024x1xf32>
    %sub3A = arith.subf %get3A_5, %mul3A_10 : vector<1024x1xf32>
    %iota3A = tpu.iota {dimensions = array<i32: 1>} : vector<1024x128xi32>
    %convert_element_type3A_11 = arith.sitofp %iota3A : vector<1024x128xi32> to vector<1024x128xf32>
    %eq3A_12 = vector.broadcast %floor3A : vector<1024x1xf32> to vector<1024x128xf32>
    %eq3A_13 = arith.cmpf oeq, %eq3A_12, %convert_element_type3A_11 : vector<1024x128xf32>
    %convert_element_type3A_14 = arith.extui %eq3A_13 : vector<1024x128xi1> to vector<1024x128xi32>
    %convert_element_type3A_15 = arith.sitofp %convert_element_type3A_14 : vector<1024x128xi32> to vector<1024x128xf32>
    %eq3A_16 = vector.broadcast %sub3A : vector<1024x1xf32> to vector<1024x128xf32>
    %eq3A_17 = arith.cmpf oeq, %eq3A_16, %convert_element_type3A_11 : vector<1024x128xf32>
    %convert_element_type3A_18 = arith.extui %eq3A_17 : vector<1024x128xi1> to vector<1024x128xi32>
    %convert_element_type3A_19 = arith.sitofp %convert_element_type3A_18 : vector<1024x128xi32> to vector<1024x128xf32>
    %get3A_20 = arith.constant 0 : index
    %get3A_21 = arith.constant 0 : index
    %get3A_22 = vector.load %arg2[%get3A_20, %get3A_21] : memref<128x128xf32, #tpu.memory_space<vmem>>, vector<128x128xf32>
    %dot_general3A = arith.constant dense<0.000000e+00> : vector<128x128xf32>
    %dot_general3A_23 = tpu.matmul %convert_element_type3A_15, %convert_element_type3A_19, %dot_general3A {dimension_numbers = #tpu.dot_dimension_numbers<[0], [0], [1], [1], [0, 1, 1, 1], [], []>, transpose_lhs_hint = false} : vector<1024x128xf32>, vector<1024x128xf32>, vector<128x128xf32> -> vector<128x128xf32>
    %add3A = arith.addf %get3A_22, %dot_general3A_23 : vector<128x128xf32>
    %swap3A = arith.constant 0 : index
    %swap3A_24 = arith.constant 0 : index
    %swap3A_25 = vector.load %arg2[%swap3A, %swap3A_24] : memref<128x128xf32, #tpu.memory_space<vmem>>, vector<128x128xf32>
    tpu.vector_store %arg2[%swap3A, %swap3A_24], %add3A {strides = array<i32>} : memref<128x128xf32, #tpu.memory_space<vmem>>, vector<128x128xf32>,
    return
  }
  func.func @transform_0(%arg0: i32) -> (i32, i32, i32) {
    %c0_i32 = arith.constant 0 : i32
    %c0_i32_0 = arith.constant 0 : i32
    %c0_i32_1 = arith.constant 0 : i32
    return %arg0, %c0_i32, %c0_i32_0 : i32, i32, i32
  }
  func.func @transform_1(%arg0: i32) -> (i32, i32) {
    %c0_i32 = arith.constant 0 : i32
    %c0_i32_0 = arith.constant 0 : i32
    %c0_i32_1 = arith.constant 0 : i32
    return %c0_i32, %c0_i32_0 : i32, i32
  }
}

module attributes {stable_mosaic.version = 14 : i64} {
  func.func @_scale_matmul_body(%arg0: i32, %arg1: memref<1024x1xf32, #tpu.memory_space<vmem>>, %arg2: memref<1024x128xf32, #tpu.memory_space<vmem>>, %arg3: memref<128x128xf32, #tpu.memory_space<vmem>>, %arg4: memref<1024x128xf32, #tpu.memory_space<vmem>>) attributes {dimension_semantics = [#tpu.dimension_semantics<arbitrary>], iteration_bounds = array<i64: 10>, scalar_prefetch = 0 : i64, scratch_operands = 0 : i64, tpu.core_type = #tpu.core_type<tc>, window_params = [{transform_indices = @transform_0, window_bounds = array<i64: 1024, 1>}, {transform_indices = @transform_1, window_bounds = array<i64: 1024, 128>}, {pipeline_mode = #tpu.pipeline_mode<synchronous>, transform_indices = @transform_2, window_bounds = array<i64: 128, 128>}, {transform_indices = @transform_3, window_bounds = array<i64: 1024, 128>}]} {
    %get3A = arith.constant 0 : index
    %get3A_0 = arith.constant 0 : index
    %get3A_1 = vector.load %arg1[%get3A, %get3A_0] : memref<1024x1xf32, #tpu.memory_space<vmem>>, vector<1024x1xf32>
    %gt3A = arith.constant 0.000000e+00 : f32
    %gt3A_2 = vector.broadcast %gt3A : f32 to vector<1024x1xf32>
    %gt3A_3 = arith.cmpf ogt, %get3A_1, %gt3A_2 : vector<1024x1xf32>
    %max3A = arith.constant 1.000000e+00 : f32
    %max3A_4 = vector.broadcast %max3A : f32 to vector<1024x1xf32>
    %max3A_5 = arith.maximumf %get3A_1, %max3A_4 : vector<1024x1xf32>
    %rsqrt3A = math.rsqrt %max3A_5 : vector<1024x1xf32>
    %jit3A = arith.constant 0.000000e+00 : f32
    %broadcast_in_dim3A = vector.broadcast %jit3A : f32 to vector<1024x1xf32>
    %select_n3A = arith.select %gt3A_3, %rsqrt3A, %broadcast_in_dim3A : vector<1024x1xi1>, vector<1024x1xf32>
    %get3A_6 = arith.constant 0 : index
    %get3A_7 = arith.constant 0 : index
    %get3A_8 = vector.load %arg2[%get3A_6, %get3A_7] : memref<1024x128xf32, #tpu.memory_space<vmem>>, vector<1024x128xf32>
    %get3A_9 = arith.constant 0 : index
    %get3A_10 = arith.constant 0 : index
    %get3A_11 = vector.load %arg3[%get3A_9, %get3A_10] : memref<128x128xf32, #tpu.memory_space<vmem>>, vector<128x128xf32>
    %dot_general3A = arith.constant dense<0.000000e+00> : vector<1024x128xf32>
    %dot_general3A_12 = tpu.matmul %get3A_8, %get3A_11, %dot_general3A {dimension_numbers = #tpu.dot_dimension_numbers<[1], [0], [0], [1], [0, 0, 1, 1], [], []>, transpose_lhs_hint = false} : vector<1024x128xf32>, vector<128x128xf32>, vector<1024x128xf32> -> vector<1024x128xf32>
    %mul3A = vector.broadcast %select_n3A : vector<1024x1xf32> to vector<1024x128xf32>
    %mul3A_13 = arith.mulf %mul3A, %dot_general3A_12 : vector<1024x128xf32>
    %swap3A = arith.constant 0 : index
    %swap3A_14 = arith.constant 0 : index
    %swap3A_15 = vector.load %arg4[%swap3A, %swap3A_14] : memref<1024x128xf32, #tpu.memory_space<vmem>>, vector<1024x128xf32>
    tpu.vector_store %arg4[%swap3A, %swap3A_14], %mul3A_13 {strides = array<i32>} : memref<1024x128xf32, #tpu.memory_space<vmem>>, vector<1024x128xf32>,
    return
  }
  func.func @transform_0(%arg0: i32) -> (i32, i32) {
    %c0_i32 = arith.constant 0 : i32
    %c0_i32_0 = arith.constant 0 : i32
    return %arg0, %c0_i32 : i32, i32
  }
  func.func @transform_1(%arg0: i32) -> (i32, i32) {
    %c0_i32 = arith.constant 0 : i32
    %c0_i32_0 = arith.constant 0 : i32
    return %arg0, %c0_i32 : i32, i32
  }
  func.func @transform_2(%arg0: i32) -> (i32, i32) {
    %c0_i32 = arith.constant 0 : i32
    %c0_i32_0 = arith.constant 0 : i32
    %c0_i32_1 = arith.constant 0 : i32
    return %c0_i32, %c0_i32_0 : i32, i32
  }
  func.func @transform_3(%arg0: i32) -> (i32, i32) {
    %c0_i32 = arith.constant 0 : i32
    %c0_i32_0 = arith.constant 0 : i32
    return %arg0, %c0_i32 : i32, i32
  }
}

module attributes {stable_mosaic.version = 14 : i64} {
  func.func @_scatter_body(%arg0: i32, %arg1: memref<1x1x2048xi32, #tpu.memory_space<smem>>, %arg2: memref<2048x128xf32, #tpu.memory_space<vmem>>, %arg3: memref<10240x128xf32, #tpu.memory_space<vmem>>, %arg4: memref<10240x128xf32, #tpu.memory_space<vmem>>, %arg5: memref<10240x128xf32, #tpu.memory_space<vmem>>, %arg6: memref<10240x128xf32, #tpu.memory_space<vmem>>, %arg7: memref<10240x128xf32, #tpu.memory_space<vmem>>, %arg8: memref<10240x128xf32, #tpu.memory_space<vmem>>, %arg9: memref<10240x128xf32, #tpu.memory_space<vmem>>, %arg10: memref<10240x128xf32, #tpu.memory_space<vmem>>) attributes {dimension_semantics = [#tpu.dimension_semantics<arbitrary>], iteration_bounds = array<i64: 160>, scalar_prefetch = 0 : i64, scratch_operands = 0 : i64, tpu.core_type = #tpu.core_type<tc>, window_params = [{transform_indices = @transform_0, window_bounds = array<i64: 1, 1, 2048>}, {transform_indices = @transform_1, window_bounds = array<i64: 2048, 128>}, {pipeline_mode = #tpu.pipeline_mode<synchronous>, transform_indices = @transform_2, window_bounds = array<i64: 10240, 128>}, {pipeline_mode = #tpu.pipeline_mode<synchronous>, transform_indices = @transform_3, window_bounds = array<i64: 10240, 128>}, {pipeline_mode = #tpu.pipeline_mode<synchronous>, transform_indices = @transform_4, window_bounds = array<i64: 10240, 128>}, {pipeline_mode = #tpu.pipeline_mode<synchronous>, transform_indices = @transform_5, window_bounds = array<i64: 10240, 128>}, {pipeline_mode = #tpu.pipeline_mode<synchronous>, transform_indices = @transform_6, window_bounds = array<i64: 10240, 128>}, {pipeline_mode = #tpu.pipeline_mode<synchronous>, transform_indices = @transform_7, window_bounds = array<i64: 10240, 128>}, {pipeline_mode = #tpu.pipeline_mode<synchronous>, transform_indices = @transform_8, window_bounds = array<i64: 10240, 128>}, {pipeline_mode = #tpu.pipeline_mode<synchronous>, transform_indices = @transform_9, window_bounds = array<i64: 10240, 128>}]} {
    %eq3A = arith.constant 0 : i32
    %eq3A_0 = arith.cmpi eq, %arg0, %eq3A : i32
    %convert_element_type3A = arith.extui %eq3A_0 : i1 to i32
    %cond3A = arith.constant 0 : i32
    %cond3A_1 = arith.cmpi ne, %convert_element_type3A, %cond3A : i32
    scf.if %cond3A_1 {
      %broadcast_in_dim3A = arith.constant 0.000000e+00 : f32
      %broadcast_in_dim3A_6 = vector.broadcast %broadcast_in_dim3A : f32 to vector<10240x128xf32>
      %swap3A = arith.constant 0 : index
      %swap3A_7 = arith.constant 0 : index
      %swap3A_8 = vector.load %arg3[%swap3A, %swap3A_7] : memref<10240x128xf32, #tpu.memory_space<vmem>>, vector<10240x128xf32>
      tpu.vector_store %arg3[%swap3A, %swap3A_7], %broadcast_in_dim3A_6 {strides = array<i32>} : memref<10240x128xf32, #tpu.memory_space<vmem>>, vector<10240x128xf32>,
      %broadcast_in_dim3A_9 = arith.constant 0.000000e+00 : f32
      %broadcast_in_dim3A_10 = vector.broadcast %broadcast_in_dim3A_9 : f32 to vector<10240x128xf32>
      %swap3A_11 = arith.constant 0 : index
      %swap3A_12 = arith.constant 0 : index
      %swap3A_13 = vector.load %arg4[%swap3A_11, %swap3A_12] : memref<10240x128xf32, #tpu.memory_space<vmem>>, vector<10240x128xf32>
      tpu.vector_store %arg4[%swap3A_11, %swap3A_12], %broadcast_in_dim3A_10 {strides = array<i32>} : memref<10240x128xf32, #tpu.memory_space<vmem>>, vector<10240x128xf32>,
      %broadcast_in_dim3A_14 = arith.constant 0.000000e+00 : f32
      %broadcast_in_dim3A_15 = vector.broadcast %broadcast_in_dim3A_14 : f32 to vector<10240x128xf32>
      %swap3A_16 = arith.constant 0 : index
      %swap3A_17 = arith.constant 0 : index
      %swap3A_18 = vector.load %arg5[%swap3A_16, %swap3A_17] : memref<10240x128xf32, #tpu.memory_space<vmem>>, vector<10240x128xf32>
      tpu.vector_store %arg5[%swap3A_16, %swap3A_17], %broadcast_in_dim3A_15 {strides = array<i32>} : memref<10240x128xf32, #tpu.memory_space<vmem>>, vector<10240x128xf32>,
      %broadcast_in_dim3A_19 = arith.constant 0.000000e+00 : f32
      %broadcast_in_dim3A_20 = vector.broadcast %broadcast_in_dim3A_19 : f32 to vector<10240x128xf32>
      %swap3A_21 = arith.constant 0 : index
      %swap3A_22 = arith.constant 0 : index
      %swap3A_23 = vector.load %arg6[%swap3A_21, %swap3A_22] : memref<10240x128xf32, #tpu.memory_space<vmem>>, vector<10240x128xf32>
      tpu.vector_store %arg6[%swap3A_21, %swap3A_22], %broadcast_in_dim3A_20 {strides = array<i32>} : memref<10240x128xf32, #tpu.memory_space<vmem>>, vector<10240x128xf32>,
      %broadcast_in_dim3A_24 = arith.constant 0.000000e+00 : f32
      %broadcast_in_dim3A_25 = vector.broadcast %broadcast_in_dim3A_24 : f32 to vector<10240x128xf32>
      %swap3A_26 = arith.constant 0 : index
      %swap3A_27 = arith.constant 0 : index
      %swap3A_28 = vector.load %arg7[%swap3A_26, %swap3A_27] : memref<10240x128xf32, #tpu.memory_space<vmem>>, vector<10240x128xf32>
      tpu.vector_store %arg7[%swap3A_26, %swap3A_27], %broadcast_in_dim3A_25 {strides = array<i32>} : memref<10240x128xf32, #tpu.memory_space<vmem>>, vector<10240x128xf32>,
      %broadcast_in_dim3A_29 = arith.constant 0.000000e+00 : f32
      %broadcast_in_dim3A_30 = vector.broadcast %broadcast_in_dim3A_29 : f32 to vector<10240x128xf32>
      %swap3A_31 = arith.constant 0 : index
      %swap3A_32 = arith.constant 0 : index
      %swap3A_33 = vector.load %arg8[%swap3A_31, %swap3A_32] : memref<10240x128xf32, #tpu.memory_space<vmem>>, vector<10240x128xf32>
      tpu.vector_store %arg8[%swap3A_31, %swap3A_32], %broadcast_in_dim3A_30 {strides = array<i32>} : memref<10240x128xf32, #tpu.memory_space<vmem>>, vector<10240x128xf32>,
      %broadcast_in_dim3A_34 = arith.constant 0.000000e+00 : f32
      %broadcast_in_dim3A_35 = vector.broadcast %broadcast_in_dim3A_34 : f32 to vector<10240x128xf32>
      %swap3A_36 = arith.constant 0 : index
      %swap3A_37 = arith.constant 0 : index
      %swap3A_38 = vector.load %arg9[%swap3A_36, %swap3A_37] : memref<10240x128xf32, #tpu.memory_space<vmem>>, vector<10240x128xf32>
      tpu.vector_store %arg9[%swap3A_36, %swap3A_37], %broadcast_in_dim3A_35 {strides = array<i32>} : memref<10240x128xf32, #tpu.memory_space<vmem>>, vector<10240x128xf32>,
      %broadcast_in_dim3A_39 = arith.constant 0.000000e+00 : f32
      %broadcast_in_dim3A_40 = vector.broadcast %broadcast_in_dim3A_39 : f32 to vector<10240x128xf32>
      %swap3A_41 = arith.constant 0 : index
      %swap3A_42 = arith.constant 0 : index
      %swap3A_43 = vector.load %arg10[%swap3A_41, %swap3A_42] : memref<10240x128xf32, #tpu.memory_space<vmem>>, vector<10240x128xf32>
      tpu.vector_store %arg10[%swap3A_41, %swap3A_42], %broadcast_in_dim3A_40 {strides = array<i32>} : memref<10240x128xf32, #tpu.memory_space<vmem>>, vector<10240x128xf32>,
    } else {
    }
    %scan3A = arith.constant 0 : i32
    %scan3A_2 = arith.constant 256 : i32
    %scan3A_3 = arith.addi %scan3A, %scan3A_2 : i32
    %scan3A_4 = arith.constant 1 : i32
    scf.for %scan3A_6 = %scan3A to %scan3A_3 step %scan3A_4  : i32 {
      %mul3A = arith.constant 8 : i32
      %mul3A_7 = arith.muli %mul3A, %scan3A_6 : i32
      %get3A = arith.index_cast %mul3A_7 : i32 to index
      %get3A_8 = arith.constant 0 : index
      %get3A_9 = vector.load %arg2[%get3A, %get3A_8] : memref<2048x128xf32, #tpu.memory_space<vmem>>, vector<8x128xf32>
      %add3A = arith.constant 0 : i32
      %add3A_10 = arith.addi %mul3A_7, %add3A : i32
      %get3A_11 = arith.constant 0 : index
      %get3A_12 = arith.constant 0 : index
      %get3A_13 = arith.index_cast %add3A_10 : i32 to index
      %get3A_14 = memref.load %arg1[%get3A_11, %get3A_12, %get3A_13] : memref<1x1x2048xi32, #tpu.memory_space<smem>>
      %get3A_15 = arith.index_cast %get3A_14 : i32 to index
      %get3A_16 = arith.constant 0 : index
      %get3A_17 = vector.load %arg3[%get3A_15, %get3A_16] : memref<10240x128xf32, #tpu.memory_space<vmem>>, vector<1x128xf32>
      %slice3A = vector.extract_strided_slice %get3A_9 {offsets = [0, 0], sizes = [1, 128], strides = [1, 1]} : vector<8x128xf32> to vector<1x128xf32>
      %add3A_18 = arith.addf %get3A_17, %slice3A : vector<1x128xf32>
      %swap3A = arith.index_cast %get3A_14 : i32 to index
      %swap3A_19 = arith.constant 0 : index
      %swap3A_20 = vector.load %arg3[%swap3A, %swap3A_19] : memref<10240x128xf32, #tpu.memory_space<vmem>>, vector<1x128xf32>
      tpu.vector_store %arg3[%swap3A, %swap3A_19], %add3A_18 {strides = array<i32>} : memref<10240x128xf32, #tpu.memory_space<vmem>>, vector<1x128xf32>,
      %add3A_21 = arith.constant 1 : i32
      %add3A_22 = arith.addi %mul3A_7, %add3A_21 : i32
      %get3A_23 = arith.constant 0 : index
      %get3A_24 = arith.constant 0 : index
      %get3A_25 = arith.index_cast %add3A_22 : i32 to index
      %get3A_26 = memref.load %arg1[%get3A_23, %get3A_24, %get3A_25] : memref<1x1x2048xi32, #tpu.memory_space<smem>>
      %get3A_27 = arith.index_cast %get3A_26 : i32 to index
      %get3A_28 = arith.constant 0 : index
      %get3A_29 = vector.load %arg4[%get3A_27, %get3A_28] : memref<10240x128xf32, #tpu.memory_space<vmem>>, vector<1x128xf32>
      %slice3A_30 = vector.extract_strided_slice %get3A_9 {offsets = [1, 0], sizes = [1, 128], strides = [1, 1]} : vector<8x128xf32> to vector<1x128xf32>
      %add3A_31 = arith.addf %get3A_29, %slice3A_30 : vector<1x128xf32>
      %swap3A_32 = arith.index_cast %get3A_26 : i32 to index
      %swap3A_33 = arith.constant 0 : index
      %swap3A_34 = vector.load %arg4[%swap3A_32, %swap3A_33] : memref<10240x128xf32, #tpu.memory_space<vmem>>, vector<1x128xf32>
      tpu.vector_store %arg4[%swap3A_32, %swap3A_33], %add3A_31 {strides = array<i32>} : memref<10240x128xf32, #tpu.memory_space<vmem>>, vector<1x128xf32>,
      %add3A_35 = arith.constant 2 : i32
      %add3A_36 = arith.addi %mul3A_7, %add3A_35 : i32
      %get3A_37 = arith.constant 0 : index
      %get3A_38 = arith.constant 0 : index
      %get3A_39 = arith.index_cast %add3A_36 : i32 to index
      %get3A_40 = memref.load %arg1[%get3A_37, %get3A_38, %get3A_39] : memref<1x1x2048xi32, #tpu.memory_space<smem>>
      %get3A_41 = arith.index_cast %get3A_40 : i32 to index
      %get3A_42 = arith.constant 0 : index
      %get3A_43 = vector.load %arg5[%get3A_41, %get3A_42] : memref<10240x128xf32, #tpu.memory_space<vmem>>, vector<1x128xf32>
      %slice3A_44 = vector.extract_strided_slice %get3A_9 {offsets = [2, 0], sizes = [1, 128], strides = [1, 1]} : vector<8x128xf32> to vector<1x128xf32>
      %add3A_45 = arith.addf %get3A_43, %slice3A_44 : vector<1x128xf32>
      %swap3A_46 = arith.index_cast %get3A_40 : i32 to index
      %swap3A_47 = arith.constant 0 : index
      %swap3A_48 = vector.load %arg5[%swap3A_46, %swap3A_47] : memref<10240x128xf32, #tpu.memory_space<vmem>>, vector<1x128xf32>
      tpu.vector_store %arg5[%swap3A_46, %swap3A_47], %add3A_45 {strides = array<i32>} : memref<10240x128xf32, #tpu.memory_space<vmem>>, vector<1x128xf32>,
      %add3A_49 = arith.constant 3 : i32
      %add3A_50 = arith.addi %mul3A_7, %add3A_49 : i32
      %get3A_51 = arith.constant 0 : index
      %get3A_52 = arith.constant 0 : index
      %get3A_53 = arith.index_cast %add3A_50 : i32 to index
      %get3A_54 = memref.load %arg1[%get3A_51, %get3A_52, %get3A_53] : memref<1x1x2048xi32, #tpu.memory_space<smem>>
      %get3A_55 = arith.index_cast %get3A_54 : i32 to index
      %get3A_56 = arith.constant 0 : index
      %get3A_57 = vector.load %arg6[%get3A_55, %get3A_56] : memref<10240x128xf32, #tpu.memory_space<vmem>>, vector<1x128xf32>
      %slice3A_58 = vector.extract_strided_slice %get3A_9 {offsets = [3, 0], sizes = [1, 128], strides = [1, 1]} : vector<8x128xf32> to vector<1x128xf32>
      %add3A_59 = arith.addf %get3A_57, %slice3A_58 : vector<1x128xf32>
      %swap3A_60 = arith.index_cast %get3A_54 : i32 to index
      %swap3A_61 = arith.constant 0 : index
      %swap3A_62 = vector.load %arg6[%swap3A_60, %swap3A_61] : memref<10240x128xf32, #tpu.memory_space<vmem>>, vector<1x128xf32>
      tpu.vector_store %arg6[%swap3A_60, %swap3A_61], %add3A_59 {strides = array<i32>} : memref<10240x128xf32, #tpu.memory_space<vmem>>, vector<1x128xf32>,
      %add3A_63 = arith.constant 4 : i32
      %add3A_64 = arith.addi %mul3A_7, %add3A_63 : i32
      %get3A_65 = arith.constant 0 : index
      %get3A_66 = arith.constant 0 : index
      %get3A_67 = arith.index_cast %add3A_64 : i32 to index
      %get3A_68 = memref.load %arg1[%get3A_65, %get3A_66, %get3A_67] : memref<1x1x2048xi32, #tpu.memory_space<smem>>
      %get3A_69 = arith.index_cast %get3A_68 : i32 to index
      %get3A_70 = arith.constant 0 : index
      %get3A_71 = vector.load %arg7[%get3A_69, %get3A_70] : memref<10240x128xf32, #tpu.memory_space<vmem>>, vector<1x128xf32>
      %slice3A_72 = vector.extract_strided_slice %get3A_9 {offsets = [4, 0], sizes = [1, 128], strides = [1, 1]} : vector<8x128xf32> to vector<1x128xf32>
      %add3A_73 = arith.addf %get3A_71, %slice3A_72 : vector<1x128xf32>
      %swap3A_74 = arith.index_cast %get3A_68 : i32 to index
      %swap3A_75 = arith.constant 0 : index
      %swap3A_76 = vector.load %arg7[%swap3A_74, %swap3A_75] : memref<10240x128xf32, #tpu.memory_space<vmem>>, vector<1x128xf32>
      tpu.vector_store %arg7[%swap3A_74, %swap3A_75], %add3A_73 {strides = array<i32>} : memref<10240x128xf32, #tpu.memory_space<vmem>>, vector<1x128xf32>,
      %add3A_77 = arith.constant 5 : i32
      %add3A_78 = arith.addi %mul3A_7, %add3A_77 : i32
      %get3A_79 = arith.constant 0 : index
      %get3A_80 = arith.constant 0 : index
      %get3A_81 = arith.index_cast %add3A_78 : i32 to index
      %get3A_82 = memref.load %arg1[%get3A_79, %get3A_80, %get3A_81] : memref<1x1x2048xi32, #tpu.memory_space<smem>>
      %get3A_83 = arith.index_cast %get3A_82 : i32 to index
      %get3A_84 = arith.constant 0 : index
      %get3A_85 = vector.load %arg8[%get3A_83, %get3A_84] : memref<10240x128xf32, #tpu.memory_space<vmem>>, vector<1x128xf32>
      %slice3A_86 = vector.extract_strided_slice %get3A_9 {offsets = [5, 0], sizes = [1, 128], strides = [1, 1]} : vector<8x128xf32> to vector<1x128xf32>
      %add3A_87 = arith.addf %get3A_85, %slice3A_86 : vector<1x128xf32>
      %swap3A_88 = arith.index_cast %get3A_82 : i32 to index
      %swap3A_89 = arith.constant 0 : index
      %swap3A_90 = vector.load %arg8[%swap3A_88, %swap3A_89] : memref<10240x128xf32, #tpu.memory_space<vmem>>, vector<1x128xf32>
      tpu.vector_store %arg8[%swap3A_88, %swap3A_89], %add3A_87 {strides = array<i32>} : memref<10240x128xf32, #tpu.memory_space<vmem>>, vector<1x128xf32>,
      %add3A_91 = arith.constant 6 : i32
      %add3A_92 = arith.addi %mul3A_7, %add3A_91 : i32
      %get3A_93 = arith.constant 0 : index
      %get3A_94 = arith.constant 0 : index
      %get3A_95 = arith.index_cast %add3A_92 : i32 to index
      %get3A_96 = memref.load %arg1[%get3A_93, %get3A_94, %get3A_95] : memref<1x1x2048xi32, #tpu.memory_space<smem>>
      %get3A_97 = arith.index_cast %get3A_96 : i32 to index
      %get3A_98 = arith.constant 0 : index
      %get3A_99 = vector.load %arg9[%get3A_97, %get3A_98] : memref<10240x128xf32, #tpu.memory_space<vmem>>, vector<1x128xf32>
      %slice3A_100 = vector.extract_strided_slice %get3A_9 {offsets = [6, 0], sizes = [1, 128], strides = [1, 1]} : vector<8x128xf32> to vector<1x128xf32>
      %add3A_101 = arith.addf %get3A_99, %slice3A_100 : vector<1x128xf32>
      %swap3A_102 = arith.index_cast %get3A_96 : i32 to index
      %swap3A_103 = arith.constant 0 : index
      %swap3A_104 = vector.load %arg9[%swap3A_102, %swap3A_103] : memref<10240x128xf32, #tpu.memory_space<vmem>>, vector<1x128xf32>
      tpu.vector_store %arg9[%swap3A_102, %swap3A_103], %add3A_101 {strides = array<i32>} : memref<10240x128xf32, #tpu.memory_space<vmem>>, vector<1x128xf32>,
      %add3A_105 = arith.constant 7 : i32
      %add3A_106 = arith.addi %mul3A_7, %add3A_105 : i32
      %get3A_107 = arith.constant 0 : index
      %get3A_108 = arith.constant 0 : index
      %get3A_109 = arith.index_cast %add3A_106 : i32 to index
      %get3A_110 = memref.load %arg1[%get3A_107, %get3A_108, %get3A_109] : memref<1x1x2048xi32, #tpu.memory_space<smem>>
      %get3A_111 = arith.index_cast %get3A_110 : i32 to index
      %get3A_112 = arith.constant 0 : index
      %get3A_113 = vector.load %arg10[%get3A_111, %get3A_112] : memref<10240x128xf32, #tpu.memory_space<vmem>>, vector<1x128xf32>
      %slice3A_114 = vector.extract_strided_slice %get3A_9 {offsets = [7, 0], sizes = [1, 128], strides = [1, 1]} : vector<8x128xf32> to vector<1x128xf32>
      %add3A_115 = arith.addf %get3A_113, %slice3A_114 : vector<1x128xf32>
      %swap3A_116 = arith.index_cast %get3A_110 : i32 to index
      %swap3A_117 = arith.constant 0 : index
      %swap3A_118 = vector.load %arg10[%swap3A_116, %swap3A_117] : memref<10240x128xf32, #tpu.memory_space<vmem>>, vector<1x128xf32>
      tpu.vector_store %arg10[%swap3A_116, %swap3A_117], %add3A_115 {strides = array<i32>} : memref<10240x128xf32, #tpu.memory_space<vmem>>, vector<1x128xf32>,
    }
    %scan3A_5 = arith.constant 256 : i32
    return
  }
  func.func @transform_0(%arg0: i32) -> (i32, i32, i32) {
    %c0_i32 = arith.constant 0 : i32
    %c0_i32_0 = arith.constant 0 : i32
    %c0_i32_1 = arith.constant 0 : i32
    return %arg0, %c0_i32, %c0_i32_0 : i32, i32, i32
  }
  func.func @transform_1(%arg0: i32) -> (i32, i32) {
    %c0_i32 = arith.constant 0 : i32
    %c0_i32_0 = arith.constant 0 : i32
    return %arg0, %c0_i32 : i32, i32
  }
  func.func @transform_2(%arg0: i32) -> (i32, i32) {
    %c0_i32 = arith.constant 0 : i32
    %c0_i32_0 = arith.constant 0 : i32
    %c0_i32_1 = arith.constant 0 : i32
    return %c0_i32, %c0_i32_0 : i32, i32
  }
  func.func @transform_3(%arg0: i32) -> (i32, i32) {
    %c0_i32 = arith.constant 0 : i32
    %c0_i32_0 = arith.constant 0 : i32
    %c0_i32_1 = arith.constant 0 : i32
    return %c0_i32, %c0_i32_0 : i32, i32
  }
  func.func @transform_4(%arg0: i32) -> (i32, i32) {
    %c0_i32 = arith.constant 0 : i32
    %c0_i32_0 = arith.constant 0 : i32
    %c0_i32_1 = arith.constant 0 : i32
    return %c0_i32, %c0_i32_0 : i32, i32
  }
  func.func @transform_5(%arg0: i32) -> (i32, i32) {
    %c0_i32 = arith.constant 0 : i32
    %c0_i32_0 = arith.constant 0 : i32
    %c0_i32_1 = arith.constant 0 : i32
    return %c0_i32, %c0_i32_0 : i32, i32
  }
  func.func @transform_6(%arg0: i32) -> (i32, i32) {
    %c0_i32 = arith.constant 0 : i32
    %c0_i32_0 = arith.constant 0 : i32
    %c0_i32_1 = arith.constant 0 : i32
    return %c0_i32, %c0_i32_0 : i32, i32
  }
  func.func @transform_7(%arg0: i32) -> (i32, i32) {
    %c0_i32 = arith.constant 0 : i32
    %c0_i32_0 = arith.constant 0 : i32
    %c0_i32_1 = arith.constant 0 : i32
    return %c0_i32, %c0_i32_0 : i32, i32
  }
  func.func @transform_8(%arg0: i32) -> (i32, i32) {
    %c0_i32 = arith.constant 0 : i32
    %c0_i32_0 = arith.constant 0 : i32
    %c0_i32_1 = arith.constant 0 : i32
    return %c0_i32, %c0_i32_0 : i32, i32
  }
  func.func @transform_9(%arg0: i32) -> (i32, i32) {
    %c0_i32 = arith.constant 0 : i32
    %c0_i32_0 = arith.constant 0 : i32
    %c0_i32_1 = arith.constant 0 : i32
    return %c0_i32, %c0_i32_0 : i32, i32
  }
}

module attributes {stable_mosaic.version = 14 : i64} {
  func.func @_epilogue_body(%arg0: i32, %arg1: memref<1000x1xf32, #tpu.memory_space<vmem>>, %arg2: memref<1x128xf32, #tpu.memory_space<vmem>>, %arg3: memref<1000x128xf32, #tpu.memory_space<vmem>>, %arg4: memref<1000x128xf32, #tpu.memory_space<vmem>>, %arg5: memref<1000x128xf32, #tpu.memory_space<vmem>>, %arg6: memref<1000x128xf32, #tpu.memory_space<vmem>>, %arg7: memref<1000x128xf32, #tpu.memory_space<vmem>>, %arg8: memref<1000x128xf32, #tpu.memory_space<vmem>>, %arg9: memref<1000x128xf32, #tpu.memory_space<vmem>>, %arg10: memref<1000x128xf32, #tpu.memory_space<vmem>>, %arg11: memref<1000x128xf32, #tpu.memory_space<vmem>>) attributes {dimension_semantics = [#tpu.dimension_semantics<arbitrary>], iteration_bounds = array<i64: 10>, scalar_prefetch = 0 : i64, scratch_operands = 0 : i64, tpu.core_type = #tpu.core_type<tc>, window_params = [{transform_indices = @transform_0, window_bounds = array<i64: 1000, 1>}, {pipeline_mode = #tpu.pipeline_mode<synchronous>, transform_indices = @transform_1, window_bounds = array<i64: 1, 128>}, {transform_indices = @transform_2, window_bounds = array<i64: 1000, 128>}, {transform_indices = @transform_3, window_bounds = array<i64: 1000, 128>}, {transform_indices = @transform_4, window_bounds = array<i64: 1000, 128>}, {transform_indices = @transform_5, window_bounds = array<i64: 1000, 128>}, {transform_indices = @transform_6, window_bounds = array<i64: 1000, 128>}, {transform_indices = @transform_7, window_bounds = array<i64: 1000, 128>}, {transform_indices = @transform_8, window_bounds = array<i64: 1000, 128>}, {transform_indices = @transform_9, window_bounds = array<i64: 1000, 128>}, {transform_indices = @transform_10, window_bounds = array<i64: 1000, 128>}]} {
    %get3A = arith.constant 0 : index
    %get3A_0 = arith.constant 0 : index
    %get3A_1 = vector.load %arg1[%get3A, %get3A_0] : memref<1000x1xf32, #tpu.memory_space<vmem>>, vector<1000x1xf32>
    %gt3A = arith.constant 0.000000e+00 : f32
    %gt3A_2 = vector.broadcast %gt3A : f32 to vector<1000x1xf32>
    %gt3A_3 = arith.cmpf ogt, %get3A_1, %gt3A_2 : vector<1000x1xf32>
    %max3A = arith.constant 1.000000e+00 : f32
    %max3A_4 = vector.broadcast %max3A : f32 to vector<1000x1xf32>
    %max3A_5 = arith.maximumf %get3A_1, %max3A_4 : vector<1000x1xf32>
    %rsqrt3A = math.rsqrt %max3A_5 : vector<1000x1xf32>
    %jit3A = arith.constant 0.000000e+00 : f32
    %broadcast_in_dim3A = vector.broadcast %jit3A : f32 to vector<1000x1xf32>
    %select_n3A = arith.select %gt3A_3, %rsqrt3A, %broadcast_in_dim3A : vector<1000x1xi1>, vector<1000x1xf32>
    %get3A_6 = arith.constant 0 : index
    %get3A_7 = arith.constant 0 : index
    %get3A_8 = vector.load %arg3[%get3A_6, %get3A_7] : memref<1000x128xf32, #tpu.memory_space<vmem>>, vector<1000x128xf32>
    %get3A_9 = arith.constant 0 : index
    %get3A_10 = arith.constant 0 : index
    %get3A_11 = vector.load %arg4[%get3A_9, %get3A_10] : memref<1000x128xf32, #tpu.memory_space<vmem>>, vector<1000x128xf32>
    %add3A = arith.addf %get3A_8, %get3A_11 : vector<1000x128xf32>
    %get3A_12 = arith.constant 0 : index
    %get3A_13 = arith.constant 0 : index
    %get3A_14 = vector.load %arg5[%get3A_12, %get3A_13] : memref<1000x128xf32, #tpu.memory_space<vmem>>, vector<1000x128xf32>
    %add3A_15 = arith.addf %add3A, %get3A_14 : vector<1000x128xf32>
    %get3A_16 = arith.constant 0 : index
    %get3A_17 = arith.constant 0 : index
    %get3A_18 = vector.load %arg6[%get3A_16, %get3A_17] : memref<1000x128xf32, #tpu.memory_space<vmem>>, vector<1000x128xf32>
    %add3A_19 = arith.addf %add3A_15, %get3A_18 : vector<1000x128xf32>
    %get3A_20 = arith.constant 0 : index
    %get3A_21 = arith.constant 0 : index
    %get3A_22 = vector.load %arg7[%get3A_20, %get3A_21] : memref<1000x128xf32, #tpu.memory_space<vmem>>, vector<1000x128xf32>
    %add3A_23 = arith.addf %add3A_19, %get3A_22 : vector<1000x128xf32>
    %get3A_24 = arith.constant 0 : index
    %get3A_25 = arith.constant 0 : index
    %get3A_26 = vector.load %arg8[%get3A_24, %get3A_25] : memref<1000x128xf32, #tpu.memory_space<vmem>>, vector<1000x128xf32>
    %add3A_27 = arith.addf %add3A_23, %get3A_26 : vector<1000x128xf32>
    %get3A_28 = arith.constant 0 : index
    %get3A_29 = arith.constant 0 : index
    %get3A_30 = vector.load %arg9[%get3A_28, %get3A_29] : memref<1000x128xf32, #tpu.memory_space<vmem>>, vector<1000x128xf32>
    %add3A_31 = arith.addf %add3A_27, %get3A_30 : vector<1000x128xf32>
    %get3A_32 = arith.constant 0 : index
    %get3A_33 = arith.constant 0 : index
    %get3A_34 = vector.load %arg10[%get3A_32, %get3A_33] : memref<1000x128xf32, #tpu.memory_space<vmem>>, vector<1000x128xf32>
    %add3A_35 = arith.addf %add3A_31, %get3A_34 : vector<1000x128xf32>
    %mul3A = vector.broadcast %select_n3A : vector<1000x1xf32> to vector<1000x128xf32>
    %mul3A_36 = arith.mulf %mul3A, %add3A_35 : vector<1000x128xf32>
    %get3A_37 = arith.constant 0 : index
    %get3A_38 = arith.constant 0 : index
    %get3A_39 = vector.load %arg2[%get3A_37, %get3A_38] : memref<1x128xf32, #tpu.memory_space<vmem>>, vector<1x128xf32>
    %add3A_40 = vector.broadcast %get3A_39 : vector<1x128xf32> to vector<1000x128xf32>
    %add3A_41 = arith.addf %mul3A_36, %add3A_40 : vector<1000x128xf32>
    %ge3A = arith.constant 0.000000e+00 : f32
    %ge3A_42 = vector.broadcast %ge3A : f32 to vector<1000x128xf32>
    %ge3A_43 = arith.cmpf oge, %add3A_41, %ge3A_42 : vector<1000x128xf32>
    %mul3A_44 = arith.constant 2.000000e-01 : f32
    %mul3A_45 = vector.broadcast %mul3A_44 : f32 to vector<1000x128xf32>
    %mul3A_46 = arith.mulf %mul3A_45, %add3A_41 : vector<1000x128xf32>
    %select_n3A_47 = arith.select %ge3A_43, %add3A_41, %mul3A_46 : vector<1000x128xi1>, vector<1000x128xf32>
    %swap3A = arith.constant 0 : index
    %swap3A_48 = arith.constant 0 : index
    %swap3A_49 = vector.load %arg11[%swap3A, %swap3A_48] : memref<1000x128xf32, #tpu.memory_space<vmem>>, vector<1000x128xf32>
    tpu.vector_store %arg11[%swap3A, %swap3A_48], %select_n3A_47 {strides = array<i32>} : memref<1000x128xf32, #tpu.memory_space<vmem>>, vector<1000x128xf32>,
    return
  }
  func.func @transform_0(%arg0: i32) -> (i32, i32) {
    %c0_i32 = arith.constant 0 : i32
    %c0_i32_0 = arith.constant 0 : i32
    return %arg0, %c0_i32 : i32, i32
  }
  func.func @transform_1(%arg0: i32) -> (i32, i32) {
    %c0_i32 = arith.constant 0 : i32
    %c0_i32_0 = arith.constant 0 : i32
    %c0_i32_1 = arith.constant 0 : i32
    return %c0_i32, %c0_i32_0 : i32, i32
  }
  func.func @transform_2(%arg0: i32) -> (i32, i32) {
    %c0_i32 = arith.constant 0 : i32
    %c0_i32_0 = arith.constant 0 : i32
    return %arg0, %c0_i32 : i32, i32
  }
  func.func @transform_3(%arg0: i32) -> (i32, i32) {
    %c0_i32 = arith.constant 0 : i32
    %c0_i32_0 = arith.constant 0 : i32
    return %arg0, %c0_i32 : i32, i32
  }
  func.func @transform_4(%arg0: i32) -> (i32, i32) {
    %c0_i32 = arith.constant 0 : i32
    %c0_i32_0 = arith.constant 0 : i32
    return %arg0, %c0_i32 : i32, i32
  }
  func.func @transform_5(%arg0: i32) -> (i32, i32) {
    %c0_i32 = arith.constant 0 : i32
    %c0_i32_0 = arith.constant 0 : i32
    return %arg0, %c0_i32 : i32, i32
  }
  func.func @transform_6(%arg0: i32) -> (i32, i32) {
    %c0_i32 = arith.constant 0 : i32
    %c0_i32_0 = arith.constant 0 : i32
    return %arg0, %c0_i32 : i32, i32
  }
  func.func @transform_7(%arg0: i32) -> (i32, i32) {
    %c0_i32 = arith.constant 0 : i32
    %c0_i32_0 = arith.constant 0 : i32
    return %arg0, %c0_i32 : i32, i32
  }
  func.func @transform_8(%arg0: i32) -> (i32, i32) {
    %c0_i32 = arith.constant 0 : i32
    %c0_i32_0 = arith.constant 0 : i32
    return %arg0, %c0_i32 : i32, i32
  }
  func.func @transform_9(%arg0: i32) -> (i32, i32) {
    %c0_i32 = arith.constant 0 : i32
    %c0_i32_0 = arith.constant 0 : i32
    return %arg0, %c0_i32 : i32, i32
  }
  func.func @transform_10(%arg0: i32) -> (i32, i32) {
    %c0_i32 = arith.constant 0 : i32
    %c0_i32_0 = arith.constant 0 : i32
    return %arg0, %c0_i32 : i32, i32
  }
}

</mosaic_0001>

<sc_bundles>
// kernel: kernel.7.cloned.1.call-start
scs
__scs_entry_jumppad:
0x0: {  	(pc) =	sbr.rel $0x88, $3  }
0x1: {  	(tag) =	ssettag $0x0;
	lr =	simm.s32 $0x1  }
0x2: {  	[smem:$0x3F9D] =	sst lr;
	_ =	strace $0xD0000000  }
0x3: {  	_ = 	snop  }
0x4: {  	_ = 	snop  }
0x5: {  	_ = 	snop  }
0x6: {  	_ = 	snop  }
0x7: {  	_ = 	snop  }
__scs_overlays_trampoline_lowered:
0x8: {  	[smem:$0x3FAC] =	sst s0  }
0x9: {  	[smem:$0x3FAD] =	sst s1  }
0xa: {  	[smem:$0x3FAE] =	sst s2  }
0xb: {  	[smem:$0x3FAF] =	sst s3  }
0xc: {  	[smem:$0x3FB0] =	sst s4  }
0xd: {  	[smem:$0x3FB1] =	sst s5  }
0xe: {  	[smem:$0x3FB2] =	sst s6  }
0xf: {  	[smem:$0x3FB3] =	sst s7  }
0x10: {  	[smem:$0x3FB4] =	sst s8  }
0x11: {  	[smem:$0x3FB5] =	sst s9;
	s0 =	simm.s32 @!p0 $0x0  }
0x12: {  	s1 =	sld [smem:$0x3F9B];
	s0 =	simm.s32 @p0 $0x1  }
0x13: {  	[smem:$0x3FB6] =	sst s0;
	s0 =	simm.s32 @!p1 $0x0  }
0x14: {  	s2 =	sld [smem:$0x3F9A];
	s0 =	simm.s32 @p1 $0x1  }
0x15: {  	[smem:$0x3FB7] =	sst s0;
	s0 =	simm.s32 @!p2 $0x0  }
0x16: {  	s3 =	sld [smem:$0x3FDB];
	s0 =	simm.s32 @p2 $0x1  }
0x17: {  	s4 =	simm.s32 $0x1BF5;
	[smem:$0x3FB9] =	sst s0  }
0x18: {  	s0 =	sld [smem:$0x3F9C];
	_ =	swait.ge [sflag:s4], $0x0  }
0x19: {  	s7 =	sld [smem:$0x3F9D]  }
0x1a: {  	s8 =	sadd.s32 $0xFFFFE003, lr  }
0x1b: {  	s9 =	sadd.s32 $0xFFFFFEF7, lr;
	s5 =	simm.s32 $0xFFFFFFFF;
	p2 =	slt.u32 s8, $0xFFFFF086  }
0x1c: {  	p1 =	slt.u32 s9, $0xF7A;
	s5 =	simm.s32 @!p2 $0x0  }
0x1d: {  	s5 =	simm.s32 @p1 $0x1;
	p0 =	seq.s32 s7, s2  }
0x1e: {  	s7 =	smul.u32 @!p0 $0xF7A, s2;
	p2 =	seq.s32 @!p0 s5, $0x0  }
0x1f: {  	s9 =	smul.u32 $0xF7A, s1;
	s8 =	simm.s32 @!p0 $0x1BF5;
	p2 =	por !p2, p0  }
0x20: {  	[sflag:s8] =	ssyncset.s32 @!p0 $0xFFFFF086;
	s6 =	sadd.s32 @!p0 s3, s7;
	s7 =	simm.s32 @!p0 $0x108  }
0x21: {  	s3 =	sadd.s32 s3, s9;
	s6 =	sadd.s32 @!p0 $0x88, s6;
	s7 =	simm.s32 @p2 $0x1082  }
0x22: {  	[simem:s7], [sflag:s8] =	dma.local @!p0 [hbm:s6], $0xF7A  }
0x23: {  	s9 =	sor.u32 $0xD0000000, s2;
	s6 =	simm.s32 $0x108;
	_ =	swait.ge @!p0 [sflag:s8], $0x0  }
0x24: {  	s3 =	sadd.s32 $0x88, s3;
	s6 =	simm.s32 @!p1 $0x1082;
	[sflag:s4] =	ssyncset.s32 $0xFFFFF086  }
0x25: {  	[simem:s6], [sflag:s4] =	dma.local [hbm:s3], $0xF7A  }
0x26: {  	[smem:$0x3F9D] =	sst s1;
	(tag) =	ssettag s2;
	_ =	strace s9  }
0x27: {  	s1 =	sld [smem:$0x3FAD]  }
0x28: {  	s2 =	sld [smem:$0x3FAE]  }
0x29: {  	s4 =	sld [smem:$0x3FB0]  }
0x2a: {  	p0 =	seq.s32 s5, $0x0;
	s5 =	sld [smem:$0x3FB1]  }
0x2b: {  	s6 =	sld [smem:$0x3FB2]  }
0x2c: {  	s7 =	sld [smem:$0x3FB3]  }
0x2d: {  	s3 =	simm.s32 $0x108;
	s8 =	sld [smem:$0x3FB4]  }
0x2e: {  	s3 =	simm.s32 @!p0 $0x1082;
	s9 =	sld [smem:$0x3FB5]  }
0x2f: {  	lr =	sadd.s32 s0, s3;
	s0 =	sld [smem:$0x3FAC]  }
0x30: {  	s3 =	sld [smem:$0x3FAF]  }
0x31: {  	[smem:$0x3FB8] =	sst s10  }
0x32: {  	s10 =	sld [smem:$0x3FB6];
	_ =	sdelay $0x3  }
0x33: {  	p0 =	seq.s32 s10, $0x1;
	s10 =	sld [smem:$0x3FB8];
	_ =	sdelay $0x3  }
0x34: {  	[smem:$0x3FB8] =	sst s10  }
0x35: {  	s10 =	sld [smem:$0x3FB7];
	_ =	sdelay $0x3  }
0x36: {  	p1 =	seq.s32 s10, $0x1;
	s10 =	sld [smem:$0x3FB8];
	_ =	sdelay $0x3  }
0x37: {  	[smem:$0x3FB8] =	sst s10  }
0x38: {  	s10 =	sld [smem:$0x3FB9]  }
0x39: {  	_ = 	snop;
	(pc) =	sbr.ind lr, $3  }
0x3a: {  	_ = 	snop  }
0x3b: {  	_ = 	snop  }
0x3c: {  	p2 =	seq.s32 s10, $0x1;
	s10 =	sld [smem:$0x3FB8]  }
0x3d: {  	_ =	shalt  }
0x3e: {  	_ =	shalt  }
0x3f: {  	_ =	shalt  }
0x40: {  	_ =	shalt  }
0x41: {  	_ =	shalt  }
0x42: {  	_ =	shalt  }
0x43: {  	_ =	shalt  }
0x44: {  	_ =	shalt  }
0x45: {  	_ =	shalt  }
0x46: {  	_ =	shalt  }
0x47: {  	_ =	shalt  }
0x48: {  	_ =	shalt  }
0x49: {  	_ =	shalt  }
0x4a: {  	_ =	shalt  }
0x4b: {  	_ =	shalt  }
0x4c: {  	_ =	shalt  }
0x4d: {  	_ =	shalt  }
0x4e: {  	_ =	shalt  }
0x4f: {  	_ =	shalt  }
0x50: {  	_ =	shalt  }
0x51: {  	_ =	shalt  }
0x52: {  	_ =	shalt  }
0x53: {  	_ =	shalt  }
0x54: {  	_ =	shalt  }
0x55: {  	_ =	shalt  }
0x56: {  	_ =	shalt  }
0x57: {  	_ =	shalt  }
0x58: {  	_ =	shalt  }
0x59: {  	_ =	shalt  }
0x5a: {  	_ =	shalt  }
0x5b: {  	_ =	shalt  }
0x5c: {  	_ =	shalt  }
0x5d: {  	_ =	shalt  }
0x5e: {  	_ =	shalt  }
0x5f: {  	_ =	shalt  }
0x60: {  	_ =	shalt  }
0x61: {  	_ =	shalt  }
0x62: {  	_ =	shalt  }
0x63: {  	_ =	shalt  }
0x64: {  	_ =	shalt  }
0x65: {  	_ =	shalt  }
0x66: {  	_ =	shalt  }
0x67: {  	_ =	shalt  }
0x68: {  	_ =	shalt  }
0x69: {  	_ =	shalt  }
0x6a: {  	_ =	shalt  }
0x6b: {  	_ =	shalt  }
0x6c: {  	_ =	shalt  }
0x6d: {  	_ =	shalt  }
0x6e: {  	_ =	shalt  }
0x6f: {  	_ =	shalt  }
0x70: {  	_ =	shalt  }
0x71: {  	_ =	shalt  }
0x72: {  	_ =	shalt  }
0x73: {  	_ =	shalt  }
0x74: {  	_ =	shalt  }
0x75: {  	_ =	shalt  }
0x76: {  	_ =	shalt  }
0x77: {  	_ =	shalt  }
0x78: {  	_ =	shalt  }
0x79: {  	_ =	shalt  }
0x7a: {  	_ =	shalt  }
0x7b: {  	_ =	shalt  }
0x7c: {  	_ =	shalt  }
0x7d: {  	_ =	shalt  }
0x7e: {  	_ =	shalt  }
0x7f: {  	_ =	shalt  }
0x80: {  	_ =	shalt  }
0x81: {  	_ =	shalt  }
0x82: {  	_ =	shalt  }
0x83: {  	_ =	shalt  }
0x84: {  	_ =	shalt  }
0x85: {  	_ =	shalt  }
0x86: {  	_ =	shalt  }
0x87: {  	_ =	shalt  }
.Lfunc_end0:
.L_simem_size_0:
called_computation_lowered:
.L_overlay_start_0:
0x88: {  	s2 =	sld [smem:$0x3FD9]  }
0x89: {  	s3 =	sld [smem:$0x3FFE];
	_ =	sdelay $0x1  }
0x8a: {  	s1 =	srdreg.scid  }
0x8b: {  	s0 =	sand.u32 $0x1, s1  }
0x8c: {  	s16 =	sshll.u32 s0, $0xA;
	s2 =	sadd.s32 s3, s2  }
0x8d: {  	s2 =	sadd.s32 s2, s16  }
0x8e: {  	[smem:$0x3FC4] =	sst s2  }
0x8f: {  	_ = 	snop  }
0x90: {  	(tm) =	ssettm $0x1  }
0x91: {  	s17 =	sld [smem:$0x3FFB];
	_ =	sdelay $0x3  }
0x92: {  	_ =	strace s17  }
0x93: {  	s2 =	sld [smem:$0x3FFC];
	_ =	sdelay $0x3  }
0x94: {  	_ =	strace s2  }
0x95: {  	s2 =	sld [smem:$0x3FFD];
	_ =	sdelay $0x3  }
0x96: {  	_ =	strace s2  }
0x97: {  	_ =	strace $0x8FFFFFFF  }
0x98: {  	s18 =	sld [smem:$0x3FDB];
	_ =	sdelay $0x1  }
0x99: {  	s19 =	simm.s32 $_scs_section_size  }
0x9a: {  	s4 =	simm.s32 $_size__tile_overlayer_lowered;
	s5 =	simm.s32 $_tile_overlayer_lowered  }
0x9b: {  	s22 =	simm.s32 $0x1BFF;
	s21 =	sshll.u32 s5, $0x1;
	s2 =	sadd.s32 s19, s18  }
0x9c: {  	s6 =	simm.s32 $0x0;
	s20 =	sshll.u32 s4, $0x1;
	s4 =	sadd.s32 s21, s2  }
0x9d: {  	[timem:s6], [sflag:s22] =	dma.local [hbm:s4], s20  }
0x9e: {  	_ =	swait.ge [sflag:s22], s20  }
0x9f: {  	s3 =	ssub.s32 $0x0, s20;
	[sflag:s22] =	ssyncset.done $0x0  }
0xa0: {  	[sflag:s22] =	ssyncadd.s32 s3;
	_ =	sdelay $0x1  }
0xa1: {  	s23 =	simm.s32 $0x1B8B  }
0xa2: {  	_ =	swait.ge [sflag:s23], $0x1  }
0xa3: {  	[sflag:s23] =	ssyncset.done $0x0  }
0xa4: {  	s25 =	simm.s32 $0x1B8E;
	s24 =	sld [smem:$0x3FFE];
	[sflag:s23] =	ssyncadd.s32 $0xFFFFFFFF  }
0xa5: {  	s26 =	simm.s32 $execute0_lowered;
	[smem:$0x3FD2] =	sst s25  }
0xa6: {  	s4 =	sshll.u32 s26, $0x1;
	_ =	strace $0x80000046;
	[dreg:$0x1] =	wrdreg $0xFFFFFFFF  }
0xa7: {  	s28 =	simm.s32 $_size_execute0_lowered;
	s2 =	sadd.s32 s2, s4;
	[dreg:$0x0] =	wrdreg $0x0  }
0xa8: {  	s4 =	sshll.u32 s28, $0x1;
	[dreg:$0x2] =	wrdreg s2  }
0xa9: {  	[dreg:$0x3] =	wrdreg s4  }
0xaa: {  	[dreg:$0x4] =	wrdreg $0xC0  }
0xab: {  	_ =	task [dreg:s6], $0x5FFFF  }
0xac: {  	[dreg:$0x1] =	wrdreg $0xFFFFFFFF  }
0xad: {  	[dreg:$0x0] =	wrdreg $0x60  }
0xae: {  	[dreg:$0x2] =	wrdreg s24  }
0xaf: {  	[dreg:$0x3] =	wrdreg $0x9  }
0xb0: {  	_ =	task.clear_ibuf [dreg:s6], $0x4FFFF;
	_ =	strace $0x90000046  }
0xb1: {  	s29 =	simm.s32 $0x9;
	_ =	strace $0x80000048  }
0xb2: {  	_ =	swait.ge [sflag:s29], $0x1  }
0xb3: {  	[sflag:s29] =	ssyncadd.s32 $0xFFFFFFFF  }
0xb4: {  	_ =	strace $0x90000048  }
0xb5: {  	_ =	sfence  }
0xb6: {  	s30 =	sld [smem:$0x0];
	_ =	sdelay $0x2  }
0xb7: {  	s31 =	sshll.u32 s1, $0xD;
	s1 =	sshrl.u32 s1, $0x2  }
0xb8: {  	s3 =	sand.u32 $0x4000, s31;
	s1 =	sadd.s32 s1, s30  }
0xb9: {  	s0 =	sor.u32 s3, s0;
	s1 =	sshll.u32 s1, $0x11  }
0xba: {  	s0 =	sor.u32 s1, s0  }
0xbb: {  	s0 =	sadd.s32 $0x8F2B, s0  }
0xbc: {  	[sflag:s0] =	ssyncadd.remote.s32 $0x1  }
0xbd: {  	_ =	sfence.sel $0xFFFF  }
0xbe: {  	[dreg:$0x0] =	wrdreg $0xFFFFFFFF;
	(pc) =	sbr.abs _section_cstart, $3  }
0xbf: {  	[dreg:$0x1] =	wrdreg $0xFFFFFFFF  }
0xc0: {  	_ =	task.clear_ibuf [dreg:s6], $0x2FFFF;
	_ =	strace $0x9FFFFFFF  }
0xc1: {  	(tm) =	ssettm $0x7FFFFFFF  }
tec
execute0_lowered:
.L_overlay_start_1:
0x0: {  	(tag) =	ssettag $0x1  }
0x1: {  	s0 =	rddreg [dreg:$0x0]  }
0x2: {  	s1 =	srdreg.scid;
	s15 =	stileid.u32  }
0x3: {  	s2 =	simm.s32 $0x0;
	s1 =	sand.u32 $0x1, s1;
	s3 =	sshll.u32 s15, $0x1  }
0x4: {  	[smem:$0x7FF] =	sst s2;
	s4 =	sor.u32 s1, s3  }
0x5: {  	s5 =	sadd.s32 $0x2BC00, s0;
	s9 =	sadd.s32 $0x5DC00, s0;
	s7 =	smul.u32 $0x2800, s4  }
0x6: {  	_ =	strace $0x80000047;
	s6 =	ssub.s32 $0x2, s1;
	s11 =	smul.u32 $0x28000, s4  }
0x7: {  	s3 =	sadd.s32 $0x35C00, s0;
	s4 =	smul.u32 $0x140000, s4;
	s8 =	sshrl.u32 s7, $0x3  }
0x8: {  	s10 =	sadd.s32 $0x800, s7;
	s0 =	sadd.s32 s9, s11;
	s17 =	sadd.s32 $0x1000, s7  }
0x9: {  	s4 =	sshrl.u32 s4, $0x3;
	s21 =	sadd.s32 $0x1800, s7;
	s14 =	sadd.s32 s5, s8  }
0xa: {  	s16 =	sshrl.u32 s10, $0x3;
	s18 =	sadd.s32 $0x7000, s0;
	s19 =	sshrl.u32 s17, $0x3  }
0xb: {  	s20 =	sshll.u32 s10, $0x4;
	s22 =	sshrl.u32 s21, $0x3;
	[dreg:$0x2] =	wrdreg s14  }
0xc: {  	s11 =	sshll.u32 s17, $0x4;
	s17 =	sadd.s32 $0x7800, s0;
	[dreg:$0x4] =	wrdreg s18  }
0xd: {  	s10 =	sshll.u32 s21, $0x4;
	s21 =	sadd.s32 $0xA800, s0;
	[dreg:$0x11] =	wrdreg s17  }
0xe: {  	s4 =	sadd.s32 s9, s4;
	s8 =	sadd.s32 s5, s16;
	[dreg:$0x14] =	wrdreg s21  }
0xf: {  	s13 =	sshrl.u32 s6, $0x1;
	s12 =	sadd.s32 $0xF000, s4;
	[dreg:$0x3] =	wrdreg s8  }
0x10: {  	s6 =	ssub.s32 s6, s13;
	s13 =	sadd.s32 $0xF800, s4;
	[dreg:$0x6] =	wrdreg s12  }
0x11: {  	s23 =	sadd.s32 $0x17000, s4;
	[dreg:$0x7] =	wrdreg s13  }
0x12: {  	s16 =	sadd.s32 $0x17800, s4;
	[dreg:$0x9] =	wrdreg s23  }
0x13: {  	s24 =	smul.u32 $0x280000, s15;
	s26 =	sadd.s32 $0x1F000, s4;
	[dreg:$0xa] =	wrdreg s16  }
0x14: {  	s31 =	smul.u32 $0x50000, s15;
	s15 =	sadd.s32 $0x27000, s4;
	[dreg:$0xc] =	wrdreg s26  }
0x15: {  	s18 =	sadd.s32 $0x8800, s0;
	[dreg:$0xe] =	wrdreg s15  }
0x16: {  	s17 =	sadd.s32 $0x1C800, s0;
	[dreg:$0x12] =	wrdreg s18  }
0x17: {  	s21 =	sadd.s32 $0x20800, s0;
	[smem:$0x7D8] =	sst s17  }
0x18: {  	s7 =	sadd.s32 $0x2000, s7;
	s8 =	sadd.s32 s5, s19;
	[smem:$0x7DB] =	sst s21  }
0x19: {  	s25 =	sshrl.u32 s7, $0x3;
	s12 =	sadd.s32 s5, s22;
	[dreg:$0x5] =	wrdreg s8  }
0x1a: {  	s5 =	sadd.s32 s5, s25;
	[dreg:$0x8] =	wrdreg s12  }
0x1b: {  	s16 =	smax.u32 s6, $0x1;
	[dreg:$0xb] =	wrdreg s5  }
0x1c: {  	s22 =	sadd.s32 $0xB800, s0;
	[dreg:$0x10] =	wrdreg s16  }
0x1d: {  	s23 =	sadd.s32 $0xC800, s0;
	[dreg:$0x15] =	wrdreg s22  }
0x1e: {  	s25 =	sadd.s32 $0xE800, s0;
	[dreg:$0x16] =	wrdreg s23  }
0x1f: {  	s13 =	sadd.s32 s9, s10;
	s26 =	sadd.s32 $0x10800, s0;
	[dreg:$0x18] =	wrdreg s25  }
0x20: {  	s10 =	sadd.s32 s31, s9;
	s31 =	sadd.s32 $0x12800, s0;
	[dreg:$0x19] =	wrdreg s26  }
0x21: {  	s6 =	sadd.s32 $0x14800, s0;
	[dreg:$0x1b] =	wrdreg s31  }
0x22: {  	s15 =	sadd.s32 $0x1A800, s0;
	[dreg:$0x1d] =	wrdreg s6  }
0x23: {  	s14 =	smul.u32 $0x140000, s1;
	s18 =	sadd.s32 $0x1D800, s0;
	[smem:$0x7D6] =	sst s15  }
0x24: {  	s7 =	sshll.u32 s7, $0x4;
	[smem:$0x7D9] =	sst s18  }
0x25: {  	s29 =	sadd.s32 s14, s24;
	s14 =	sadd.s32 $0x1F800, s4;
	[smem:$0x7F5] =	sst s13  }
0x26: {  	s1 =	smul.u32 $0x28000, s1;
	s4 =	sadd.s32 $0x27800, s4;
	[dreg:$0xd] =	wrdreg s14  }
0x27: {  	s8 =	sadd.s32 s9, s20;
	s20 =	sadd.s32 $0x9800, s0;
	[dreg:$0xf] =	wrdreg s4  }
0x28: {  	s12 =	sadd.s32 s9, s11;
	s24 =	sadd.s32 $0xD800, s0;
	[dreg:$0x13] =	wrdreg s20  }
0x29: {  	s11 =	sadd.s32 s9, s7;
	s7 =	sadd.s32 $0x15800, s0;
	[dreg:$0x17] =	wrdreg s24  }
0x2a: {  	s1 =	sadd.s32 s1, s10;
	s10 =	sadd.s32 $0x18800, s0;
	[dreg:$0x1e] =	wrdreg s7  }
0x2b: {  	s16 =	sadd.s32 $0x1B800, s0;
	[smem:$0x7D4] =	sst s10  }
0x2c: {  	s22 =	sadd.s32 $0x21800, s0;
	[smem:$0x7D7] =	sst s16  }
0x2d: {  	s23 =	sadd.s32 $0x22800, s0;
	[smem:$0x7DC] =	sst s22  }
0x2e: {  	s25 =	sadd.s32 $0x24800, s0;
	[smem:$0x7DD] =	sst s23  }
0x2f: {  	s26 =	sadd.s32 $0x25800, s0;
	[smem:$0x7DF] =	sst s25  }
0x30: {  	[smem:$0x7E0] =	sst s26  }
0x31: {  	[smem:$0x7E7] =	sst s8  }
0x32: {  	s17 =	sadd.s32 $0x2000, s13;
	[smem:$0x7EE] =	sst s12  }
0x33: {  	s18 =	sadd.s32 $0x3000, s13;
	[smem:$0x7F1] =	sst s17  }
0x34: {  	s21 =	sadd.s32 $0x5000, s13;
	[smem:$0x7F2] =	sst s18  }
0x35: {  	[smem:$0x7F4] =	sst s21  }
0x36: {  	s5 =	sshrl.u32 s29, $0x3;
	s29 =	sadd.s32 $0x11800, s0;
	[smem:$0x7FC] =	sst s11  }
0x37: {  	s14 =	sadd.s32 $0x19800, s0;
	[dreg:$0x1a] =	wrdreg s29  }
0x38: {  	s20 =	sadd.s32 $0x1E800, s0;
	[smem:$0x7D5] =	sst s14  }
0x39: {  	s24 =	sadd.s32 $0x23800, s0;
	[smem:$0x7DA] =	sst s20  }
0x3a: {  	s31 =	sadd.s32 $0x2000, s8;
	[smem:$0x7DE] =	sst s24  }
0x3b: {  	s30 =	sadd.s32 $0x800, s1;
	s1 =	sadd.s32 $0x3000, s8;
	[smem:$0x7E3] =	sst s31  }
0x3c: {  	s4 =	sadd.s32 $0x4000, s8;
	[smem:$0x7E4] =	sst s1  }
0x3d: {  	s6 =	sadd.s32 $0x6000, s8;
	[smem:$0x7E5] =	sst s4  }
0x3e: {  	s7 =	sadd.s32 $0x1000, s12;
	[smem:$0x7E8] =	sst s6  }
0x3f: {  	s10 =	sadd.s32 $0x4000, s12;
	[smem:$0x7E9] =	sst s7  }
0x40: {  	s15 =	sadd.s32 $0x6000, s12;
	[smem:$0x7EC] =	sst s10  }
0x41: {  	s28 =	simm.s32 $0xE00;
	s16 =	sadd.s32 $0x1000, s13;
	[smem:$0x7EF] =	sst s15  }
0x42: {  	s22 =	sadd.s32 $0x6000, s13;
	s23 =	sadd.s32 $0x1000, s11;
	[smem:$0x7F0] =	sst s16  }
0x43: {  	s25 =	sadd.s32 $0x3000, s11;
	s26 =	sadd.s32 $0x4000, s11;
	[smem:$0x7F6] =	sst s22  }
0x44: {  	s18 =	simm.s32 $0x180;
	s21 =	simm.s32 $0x580;
	[smem:$0x7F7] =	sst s23  }
0x45: {  	s19 =	sadd.s32 s5, s9;
	s5 =	sadd.s32 $0x13800, s0;
	[smem:$0x7F9] =	sst s25  }
0x46: {  	s9 =	sadd.s32 $0x16800, s0;
	s0 =	sadd.s32 $0x26800, s0;
	[smem:$0x7FA] =	sst s26  }
0x47: {  	s29 =	sadd.s32 $0x1000, s8;
	s14 =	sadd.s32 $0x5000, s12;
	[dreg:$0x1c] =	wrdreg s5  }
0x48: {  	s20 =	sadd.s32 $0x4000, s13;
	s24 =	sadd.s32 $0x2000, s11;
	[dreg:$0x1f] =	wrdreg s9  }
0x49: {  	s31 =	sadd.s32 $0x6000, s11;
	s1 =	simm.s32 $0x80;
	[smem:$0x7E1] =	sst s0  }
0x4a: {  	s4 =	simm.s32 $0x1000;
	s6 =	simm.s32 $0x5000;
	[smem:$0x7E2] =	sst s29  }
0x4b: {  	s7 =	simm.s32 $0x1;
	s25 =	simm.s32 $0xD00;
	[smem:$0x7ED] =	sst s14  }
0x4c: {  	s26 =	simm.s32 $0xD80;
	s13 =	simm.s32 $0x300;
	[smem:$0x7F3] =	sst s20  }
0x4d: {  	s16 =	simm.s32 $0x400;
	s22 =	simm.s32 $0x600;
	[smem:$0x7F8] =	sst s24  }
0x4e: {  	s23 =	simm.s32 $0x680;
	s5 =	sadd.s32 $0x5000, s8;
	[smem:$0x7FD] =	sst s31  }
0x4f: {  	s8 =	sadd.s32 $0x2000, s12;
	s9 =	sadd.s32 $0x3000, s12;
	[smem:$0x7E6] =	sst s5  }
0x50: {  	s29 =	sadd.s32 $0x5000, s11;
	s0 =	simm.s32 $0x3;
	[smem:$0x7EA] =	sst s8  }
0x51: {  	s11 =	simm.s32 $0x0;
	s12 =	simm.s32 $0x280;
	[smem:$0x7EB] =	sst s9  }
0x52: {  	s20 =	simm.s32 $0x500;
	s24 =	simm.s32 $0x700;
	[smem:$0x7FB] =	sst s29  }
0x53: {  	s5 =	simm.s32 $0x800;
	s9 =	simm.s32 $0x2;
	s8 =	simm.s32 $0x100  }
.LBB2_1:
0x54: {  	s14 =	rddreg [dreg:$0x2]  }
0x55: {  	[tilespmem:s2], [sflag:$0x3] =	stream.linear.gather [hbm4b:s14+s2], $0x800, $0x38;
	[tilespmem:$0x9000] =	vst v63  }
0x56: {  	_ =	swait.ge [sflag:s0], $0x800  }
0x57: {  	[sflag:s0] =	ssyncset.done $0x0  }
0x58: {  	[sflag:s0] =	ssyncadd.s32 $0xFFFFF800  }
0x59: {  	[tilespmem:s4], [sflag:$0x1] =	stream.indirect.gather [hbm4b:s3+s1], $0x80, s2, s1, $0xb8;
	[tilespmem:$0x9000] =	vst v63  }
0x5a: {  	s17 =	rddreg [dreg:$0x3]  }
0x5b: {  	[tilespmem:s5], [sflag:$0x3] =	stream.linear.gather [hbm4b:s17+s2], $0x800, $0x38;
	[tilespmem:$0x9000] =	vst v63  }
0x5c: {  	_ =	swait.ge [sflag:s0], $0x800  }
0x5d: {  	[sflag:s0] =	ssyncset.done $0x0  }
0x5e: {  	s10 =	simm.s32 $0x80;
	[sflag:s0] =	ssyncadd.s32 $0xFFFFF800  }
0x5f: {  	[tilespmem:s6], [sflag:$0x2] =	stream.indirect.gather [hbm4b:s3+s1], $0x80, s10, s1, $0xb8;
	[tilespmem:$0x9000] =	vst v63  }
0x60: {  	_ =	swait.ge [sflag:s7], $0x4000  }
0x61: {  	[sflag:s7] =	ssyncset.done $0x0  }
0x62: {  	s15 =	sadd.s32 $0x0, s19;
	[sflag:s7] =	ssyncadd.s32 $0xFFFFC000  }
0x63: {  	[hbm4b:s15+s2] =	stream.linear.scatter [tilespmem:s4], [sflag:$0x3], $0x4000, $0x38;
	[tilespmem:$0x9000] =	vst v63  }
0x64: {  	_ =	swait.ge [sflag:s0], $0x4000  }
0x65: {  	[sflag:s0] =	ssyncset.done $0x0  }
0x66: {  	[sflag:s0] =	ssyncadd.s32 $0xFFFFC000  }
0x67: {  	[tilespmem:s4], [sflag:$0x1] =	stream.indirect.gather [hbm4b:s3+s1], $0x80, s8, s1, $0xb8;
	[tilespmem:$0x9000] =	vst v63  }
0x68: {  	_ =	swait.ge [sflag:s9], $0x4000  }
0x69: {  	[sflag:s9] =	ssyncset.done $0x0  }
0x6a: {  	s17 =	sadd.s32 $0x0, s30;
	[sflag:s9] =	ssyncadd.s32 $0xFFFFC000  }
0x6b: {  	[hbm4b:s17+s2] =	stream.linear.scatter [tilespmem:s6], [sflag:$0x3], $0x4000, $0x38;
	[tilespmem:$0x9000] =	vst v63  }
0x6c: {  	s29 =	simm.s32 $0x1000;
	_ =	swait.ge [sflag:s0], $0x4000  }
0x6d: {  	s31 =	simm.s32 $0x200;
	s14 =	simm.s32 $0x2000;
	[sflag:s0] =	ssyncset.done $0x0  }
.LBB2_2:
0x6e: {  	p0 =	sne.s32 s14, $0x6000;
	s15 =	sadd.s32 $0xFFFFFF80, s31;
	[sflag:s0] =	ssyncadd.s32 $0xFFFFC000  }
0x6f: {  	[tilespmem:s6], [sflag:$0x2] =	stream.indirect.gather [hbm4b:s3+s1], $0x80, s15, s1, $0xb8;
	[tilespmem:$0x9000] =	vst v63  }
0x70: {  	s15 =	smov.u32 s14;
	s14 =	sadd.s32 $0x1000, s14;
	_ =	swait.ge [sflag:s7], $0x4000  }
0x71: {  	[sflag:s7] =	ssyncset.done $0x0  }
0x72: {  	s17 =	sadd.s32 s29, s19;
	[sflag:s7] =	ssyncadd.s32 $0xFFFFC000  }
0x73: {  	[hbm4b:s17+s2] =	stream.linear.scatter [tilespmem:s4], [sflag:$0x3], $0x4000, $0x38;
	[tilespmem:$0x9000] =	vst v63  }
0x74: {  	_ =	swait.ge [sflag:s0], $0x4000  }
0x75: {  	[sflag:s0] =	ssyncset.done $0x0  }
0x76: {  	[sflag:s0] =	ssyncadd.s32 $0xFFFFC000  }
0x77: {  	[tilespmem:s4], [sflag:$0x1] =	stream.indirect.gather [hbm4b:s3+s1], $0x80, s31, s1, $0xb8;
	[tilespmem:$0x9000] =	vst v63  }
0x78: {  	_ =	swait.ge [sflag:s9], $0x4000  }
.Ltmp0:
0x79: {  	[sflag:s9] =	ssyncset.done $0x0;
	(pc) =	sbr.rel @p0 .LBB2_2-.Ltmp0, $4  }
0x7a: {  	s17 =	sadd.s32 s29, s30;
	s29 =	smov.u32 s15;
	[sflag:s9] =	ssyncadd.s32 $0xFFFFC000  }
0x7b: {  	[hbm4b:s17+s2] =	stream.linear.scatter [tilespmem:s6], [sflag:$0x3], $0x4000, $0x38;
	[tilespmem:$0x9000] =	vst v63  }
0x7c: {  	_ =	swait.ge [sflag:s0], $0x4000  }
0x7d: {  	s31 =	sadd.s32 $0x100, s31;
	[sflag:s0] =	ssyncset.done $0x0  }
0x7e: {  	s14 =	sadd.s32 $0xFFFFFF80, s31;
	[sflag:s0] =	ssyncadd.s32 $0xFFFFC000  }
0x7f: {  	[tilespmem:s6], [sflag:$0x2] =	stream.indirect.gather [hbm4b:s3+s1], $0x80, s14, s1, $0xb8;
	[tilespmem:$0x9000] =	vst v63  }
0x80: {  	_ =	swait.ge [sflag:s7], $0x4000  }
0x81: {  	[sflag:s7] =	ssyncset.done $0x0  }
0x82: {  	s17 =	sadd.s32 s29, s19;
	[sflag:s7] =	ssyncadd.s32 $0xFFFFC000  }
0x83: {  	[hbm4b:s17+s2] =	stream.linear.scatter [tilespmem:s4], [sflag:$0x3], $0x4000, $0x38;
	[tilespmem:$0x9000] =	vst v63  }
0x84: {  	_ =	swait.ge [sflag:s0], $0x4000  }
0x85: {  	[sflag:s0] =	ssyncset.done $0x0  }
0x86: {  	[sflag:s0] =	ssyncadd.s32 $0xFFFFC000  }
0x87: {  	[tilespmem:s4], [sflag:$0x1] =	stream.indirect.gather [hbm4b:s3+s1], $0x80, s31, s1, $0xb8;
	[tilespmem:$0x9000] =	vst v63  }
0x88: {  	_ =	swait.ge [sflag:s9], $0x4000  }
0x89: {  	[sflag:s9] =	ssyncset.done $0x0  }
0x8a: {  	s29 =	sadd.s32 s29, s30;
	[sflag:s9] =	ssyncadd.s32 $0xFFFFC000  }
0x8b: {  	[hbm4b:s29+s2] =	stream.linear.scatter [tilespmem:s6], [sflag:$0x3], $0x4000, $0x38;
	[tilespmem:$0x9000] =	vst v63  }
0x8c: {  	_ =	swait.ge [sflag:s0], $0x4000  }
0x8d: {  	[sflag:s0] =	ssyncset.done $0x0  }
0x8e: {  	s8 =	simm.s32 $0x780;
	[sflag:s0] =	ssyncadd.s32 $0xFFFFC000  }
0x8f: {  	[tilespmem:s6], [sflag:$0x2] =	stream.indirect.gather [hbm4b:s3+s1], $0x80, s8, s1, $0xb8;
	[tilespmem:$0x9000] =	vst v63  }
0x90: {  	_ =	swait.ge [sflag:s7], $0x4000  }
0x91: {  	[sflag:s7] =	ssyncset.done $0x0  }
0x92: {  	s31 =	rddreg [dreg:$0x4];
	[sflag:s7] =	ssyncadd.s32 $0xFFFFC000  }
0x93: {  	[hbm4b:s31+s2] =	stream.linear.scatter [tilespmem:s4], [sflag:$0x3], $0x4000, $0x38;
	[tilespmem:$0x9000] =	vst v63  }
0x94: {  	_ =	swait.ge [sflag:s0], $0x4000  }
0x95: {  	[sflag:s0] =	ssyncset.done $0x0  }
0x96: {  	[sflag:s0] =	ssyncadd.s32 $0xFFFFC000  }
0x97: {  	[tilespmem:s4], [sflag:$0x1] =	stream.indirect.gather [hbm4b:s3+s1], $0x80, s5, s1, $0xb8;
	[tilespmem:$0x9000] =	vst v63  }
0x98: {  	_ =	swait.ge [sflag:s9], $0x4000  }
0x99: {  	[sflag:s9] =	ssyncset.done $0x0  }
0x9a: {  	s8 =	rddreg [dreg:$0x11];
	[sflag:s9] =	ssyncadd.s32 $0xFFFFC000  }
0x9b: {  	[hbm4b:s8+s2] =	stream.linear.scatter [tilespmem:s6], [sflag:$0x3], $0x4000, $0x38;
	[tilespmem:$0x9000] =	vst v63  }
0x9c: {  	_ =	swait.ge [sflag:s0], $0x4000  }
0x9d: {  	[sflag:s0] =	ssyncset.done $0x0  }
0x9e: {  	s10 =	rddreg [dreg:$0x5];
	[sflag:s0] =	ssyncadd.s32 $0xFFFFC000  }
0x9f: {  	[tilespmem:s2], [sflag:$0x3] =	stream.linear.gather [hbm4b:s10+s2], $0x800, $0x38;
	[tilespmem:$0x9000] =	vst v63  }
0xa0: {  	_ =	swait.ge [sflag:s0], $0x800  }
0xa1: {  	[sflag:s0] =	ssyncset.done $0x0  }
0xa2: {  	s15 =	simm.s32 $0x880;
	[sflag:s0] =	ssyncadd.s32 $0xFFFFF800  }
0xa3: {  	[tilespmem:s6], [sflag:$0x2] =	stream.indirect.gather [hbm4b:s3+s1], $0x80, s15, s1, $0xb8;
	[tilespmem:$0x9000] =	vst v63  }
0xa4: {  	_ =	swait.ge [sflag:s7], $0x4000  }
0xa5: {  	s17 =	sld [smem:$0x7E7]  }
0xa6: {  	[sflag:s7] =	ssyncset.done $0x0  }
0xa7: {  	[sflag:s7] =	ssyncadd.s32 $0xFFFFC000  }
0xa8: {  	[hbm4b:s17+s2] =	stream.linear.scatter [tilespmem:s4], [sflag:$0x3], $0x4000, $0x38;
	[tilespmem:$0x9000] =	vst v63  }
0xa9: {  	_ =	swait.ge [sflag:s0], $0x4000  }
0xaa: {  	[sflag:s0] =	ssyncset.done $0x0  }
0xab: {  	s29 =	simm.s32 $0x900;
	[sflag:s0] =	ssyncadd.s32 $0xFFFFC000  }
0xac: {  	[tilespmem:s4], [sflag:$0x1] =	stream.indirect.gather [hbm4b:s3+s1], $0x80, s29, s1, $0xb8;
	[tilespmem:$0x9000] =	vst v63  }
0xad: {  	_ =	swait.ge [sflag:s9], $0x4000  }
0xae: {  	[sflag:s9] =	ssyncset.done $0x0  }
0xaf: {  	s31 =	rddreg [dreg:$0x12];
	[sflag:s9] =	ssyncadd.s32 $0xFFFFC000  }
0xb0: {  	[hbm4b:s31+s2] =	stream.linear.scatter [tilespmem:s6], [sflag:$0x3], $0x4000, $0x38;
	[tilespmem:$0x9000] =	vst v63  }
0xb1: {  	_ =	swait.ge [sflag:s0], $0x4000  }
0xb2: {  	[sflag:s0] =	ssyncset.done $0x0  }
0xb3: {  	s29 =	simm.s32 $0x980;
	[sflag:s0] =	ssyncadd.s32 $0xFFFFC000  }
0xb4: {  	[tilespmem:s6], [sflag:$0x2] =	stream.indirect.gather [hbm4b:s3+s1], $0x80, s29, s1, $0xb8;
	[tilespmem:$0x9000] =	vst v63  }
0xb5: {  	_ =	swait.ge [sflag:s7], $0x4000  }
0xb6: {  	s8 =	sld [smem:$0x7E2]  }
0xb7: {  	[sflag:s7] =	ssyncset.done $0x0  }
0xb8: {  	[sflag:s7] =	ssyncadd.s32 $0xFFFFC000  }
0xb9: {  	[hbm4b:s8+s2] =	stream.linear.scatter [tilespmem:s4], [sflag:$0x3], $0x4000, $0x38;
	[tilespmem:$0x9000] =	vst v63  }
0xba: {  	_ =	swait.ge [sflag:s0], $0x4000  }
0xbb: {  	[sflag:s0] =	ssyncset.done $0x0  }
0xbc: {  	s31 =	simm.s32 $0xA00;
	[sflag:s0] =	ssyncadd.s32 $0xFFFFC000  }
0xbd: {  	[tilespmem:s4], [sflag:$0x1] =	stream.indirect.gather [hbm4b:s3+s1], $0x80, s31, s1, $0xb8;
	[tilespmem:$0x9000] =	vst v63  }
0xbe: {  	_ =	swait.ge [sflag:s9], $0x4000  }
0xbf: {  	[sflag:s9] =	ssyncset.done $0x0  }
0xc0: {  	s10 =	rddreg [dreg:$0x13];
	[sflag:s9] =	ssyncadd.s32 $0xFFFFC000  }
0xc1: {  	[hbm4b:s10+s2] =	stream.linear.scatter [tilespmem:s6], [sflag:$0x3], $0x4000, $0x38;
	[tilespmem:$0x9000] =	vst v63  }
0xc2: {  	_ =	swait.ge [sflag:s0], $0x4000  }
0xc3: {  	[sflag:s0] =	ssyncset.done $0x0  }
0xc4: {  	s14 =	simm.s32 $0xA80;
	[sflag:s0] =	ssyncadd.s32 $0xFFFFC000  }
0xc5: {  	[tilespmem:s6], [sflag:$0x2] =	stream.indirect.gather [hbm4b:s3+s1], $0x80, s14, s1, $0xb8;
	[tilespmem:$0x9000] =	vst v63  }
0xc6: {  	_ =	swait.ge [sflag:s7], $0x4000  }
0xc7: {  	s15 =	sld [smem:$0x7E3]  }
0xc8: {  	[sflag:s7] =	ssyncset.done $0x0  }
0xc9: {  	[sflag:s7] =	ssyncadd.s32 $0xFFFFC000  }
0xca: {  	[hbm4b:s15+s2] =	stream.linear.scatter [tilespmem:s4], [sflag:$0x3], $0x4000, $0x38;
	[tilespmem:$0x9000] =	vst v63  }
0xcb: {  	_ =	swait.ge [sflag:s0], $0x4000  }
0xcc: {  	[sflag:s0] =	ssyncset.done $0x0  }
0xcd: {  	s17 =	simm.s32 $0xB00;
	[sflag:s0] =	ssyncadd.s32 $0xFFFFC000  }
0xce: {  	[tilespmem:s4], [sflag:$0x1] =	stream.indirect.gather [hbm4b:s3+s1], $0x80, s17, s1, $0xb8;
	[tilespmem:$0x9000] =	vst v63  }
0xcf: {  	_ =	swait.ge [sflag:s9], $0x4000  }
0xd0: {  	[sflag:s9] =	ssyncset.done $0x0  }
0xd1: {  	s10 =	rddreg [dreg:$0x14];
	[sflag:s9] =	ssyncadd.s32 $0xFFFFC000  }
0xd2: {  	[hbm4b:s10+s2] =	stream.linear.scatter [tilespmem:s6], [sflag:$0x3], $0x4000, $0x38;
	[tilespmem:$0x9000] =	vst v63  }
0xd3: {  	_ =	swait.ge [sflag:s0], $0x4000  }
0xd4: {  	[sflag:s0] =	ssyncset.done $0x0  }
0xd5: {  	s14 =	simm.s32 $0xB80;
	[sflag:s0] =	ssyncadd.s32 $0xFFFFC000  }
0xd6: {  	[tilespmem:s6], [sflag:$0x2] =	stream.indirect.gather [hbm4b:s3+s1], $0x80, s14, s1, $0xb8;
	[tilespmem:$0x9000] =	vst v63  }
0xd7: {  	_ =	swait.ge [sflag:s7], $0x4000  }
0xd8: {  	s15 =	sld [smem:$0x7E4]  }
0xd9: {  	[sflag:s7] =	ssyncset.done $0x0  }
0xda: {  	[sflag:s7] =	ssyncadd.s32 $0xFFFFC000  }
0xdb: {  	[hbm4b:s15+s2] =	stream.linear.scatter [tilespmem:s4], [sflag:$0x3], $0x4000, $0x38;
	[tilespmem:$0x9000] =	vst v63  }
0xdc: {  	_ =	swait.ge [sflag:s0], $0x4000  }
0xdd: {  	[sflag:s0] =	ssyncset.done $0x0  }
0xde: {  	s17 =	simm.s32 $0xC00;
	[sflag:s0] =	ssyncadd.s32 $0xFFFFC000  }
0xdf: {  	[tilespmem:s4], [sflag:$0x1] =	stream.indirect.gather [hbm4b:s3+s1], $0x80, s17, s1, $0xb8;
	[tilespmem:$0x9000] =	vst v63  }
0xe0: {  	_ =	swait.ge [sflag:s9], $0x4000  }
0xe1: {  	[sflag:s9] =	ssyncset.done $0x0  }
0xe2: {  	s10 =	rddreg [dreg:$0x15];
	[sflag:s9] =	ssyncadd.s32 $0xFFFFC000  }
0xe3: {  	[hbm4b:s10+s2] =	stream.linear.scatter [tilespmem:s6], [sflag:$0x3], $0x4000, $0x38;
	[tilespmem:$0x9000] =	vst v63  }
0xe4: {  	_ =	swait.ge [sflag:s0], $0x4000  }
0xe5: {  	[sflag:s0] =	ssyncset.done $0x0  }
0xe6: {  	s15 =	simm.s32 $0xC80;
	[sflag:s0] =	ssyncadd.s32 $0xFFFFC000  }
0xe7: {  	[tilespmem:s6], [sflag:$0x2] =	stream.indirect.gather [hbm4b:s3+s1], $0x80, s15, s1, $0xb8;
	[tilespmem:$0x9000] =	vst v63  }
0xe8: {  	_ =	swait.ge [sflag:s7], $0x4000  }
0xe9: {  	s17 =	sld [smem:$0x7E5]  }
0xea: {  	[sflag:s7] =	ssyncset.done $0x0  }
0xeb: {  	[sflag:s7] =	ssyncadd.s32 $0xFFFFC000  }
0xec: {  	[hbm4b:s17+s2] =	stream.linear.scatter [tilespmem:s4], [sflag:$0x3], $0x4000, $0x38;
	[tilespmem:$0x9000] =	vst v63  }
0xed: {  	_ =	swait.ge [sflag:s0], $0x4000  }
0xee: {  	[sflag:s0] =	ssyncset.done $0x0  }
0xef: {  	[sflag:s0] =	ssyncadd.s32 $0xFFFFC000  }
0xf0: {  	[tilespmem:s4], [sflag:$0x1] =	stream.indirect.gather [hbm4b:s3+s1], $0x80, s25, s1, $0xb8;
	[tilespmem:$0x9000] =	vst v63  }
0xf1: {  	_ =	swait.ge [sflag:s9], $0x4000  }
0xf2: {  	[sflag:s9] =	ssyncset.done $0x0  }
0xf3: {  	s8 =	rddreg [dreg:$0x16];
	[sflag:s9] =	ssyncadd.s32 $0xFFFFC000  }
0xf4: {  	[hbm4b:s8+s2] =	stream.linear.scatter [tilespmem:s6], [sflag:$0x3], $0x4000, $0x38;
	[tilespmem:$0x9000] =	vst v63  }
0xf5: {  	_ =	swait.ge [sflag:s0], $0x4000  }
0xf6: {  	[sflag:s0] =	ssyncset.done $0x0  }
0xf7: {  	[sflag:s0] =	ssyncadd.s32 $0xFFFFC000  }
0xf8: {  	[tilespmem:s6], [sflag:$0x2] =	stream.indirect.gather [hbm4b:s3+s1], $0x80, s26, s1, $0xb8;
	[tilespmem:$0x9000] =	vst v63  }
0xf9: {  	_ =	swait.ge [sflag:s7], $0x4000  }
0xfa: {  	s10 =	sld [smem:$0x7E6]  }
0xfb: {  	[sflag:s7] =	ssyncset.done $0x0  }
0xfc: {  	[sflag:s7] =	ssyncadd.s32 $0xFFFFC000  }
0xfd: {  	[hbm4b:s10+s2] =	stream.linear.scatter [tilespmem:s4], [sflag:$0x3], $0x4000, $0x38;
	[tilespmem:$0x9000] =	vst v63  }
0xfe: {  	_ =	swait.ge [sflag:s0], $0x4000  }
0xff: {  	[sflag:s0] =	ssyncset.done $0x0  }
0x100: {  	[sflag:s0] =	ssyncadd.s32 $0xFFFFC000  }
0x101: {  	[tilespmem:s4], [sflag:$0x1] =	stream.indirect.gather [hbm4b:s3+s1], $0x80, s28, s1, $0xb8;
	[tilespmem:$0x9000] =	vst v63  }
0x102: {  	_ =	swait.ge [sflag:s9], $0x4000  }
0x103: {  	[sflag:s9] =	ssyncset.done $0x0  }
0x104: {  	s15 =	rddreg [dreg:$0x17];
	[sflag:s9] =	ssyncadd.s32 $0xFFFFC000  }
0x105: {  	[hbm4b:s15+s2] =	stream.linear.scatter [tilespmem:s6], [sflag:$0x3], $0x4000, $0x38;
	[tilespmem:$0x9000] =	vst v63  }
0x106: {  	_ =	swait.ge [sflag:s0], $0x4000  }
0x107: {  	[sflag:s0] =	ssyncset.done $0x0  }
0x108: {  	s8 =	simm.s32 $0xE80;
	[sflag:s0] =	ssyncadd.s32 $0xFFFFC000  }
0x109: {  	[tilespmem:s6], [sflag:$0x2] =	stream.indirect.gather [hbm4b:s3+s1], $0x80, s8, s1, $0xb8;
	[tilespmem:$0x9000] =	vst v63  }
0x10a: {  	_ =	swait.ge [sflag:s7], $0x4000  }
0x10b: {  	s17 =	sld [smem:$0x7E8]  }
0x10c: {  	[sflag:s7] =	ssyncset.done $0x0  }
0x10d: {  	[sflag:s7] =	ssyncadd.s32 $0xFFFFC000  }
0x10e: {  	[hbm4b:s17+s2] =	stream.linear.scatter [tilespmem:s4], [sflag:$0x3], $0x4000, $0x38;
	[tilespmem:$0x9000] =	vst v63  }
0x10f: {  	_ =	swait.ge [sflag:s0], $0x4000  }
0x110: {  	[sflag:s0] =	ssyncset.done $0x0  }
0x111: {  	s10 =	simm.s32 $0xF00;
	[sflag:s0] =	ssyncadd.s32 $0xFFFFC000  }
0x112: {  	[tilespmem:s4], [sflag:$0x1] =	stream.indirect.gather [hbm4b:s3+s1], $0x80, s10, s1, $0xb8;
	[tilespmem:$0x9000] =	vst v63  }
0x113: {  	_ =	swait.ge [sflag:s9], $0x4000  }
0x114: {  	[sflag:s9] =	ssyncset.done $0x0  }
0x115: {  	s10 =	rddreg [dreg:$0x18];
	[sflag:s9] =	ssyncadd.s32 $0xFFFFC000  }
0x116: {  	[hbm4b:s10+s2] =	stream.linear.scatter [tilespmem:s6], [sflag:$0x3], $0x4000, $0x38;
	[tilespmem:$0x9000] =	vst v63  }
0x117: {  	_ =	swait.ge [sflag:s0], $0x4000  }
0x118: {  	[sflag:s0] =	ssyncset.done $0x0  }
0x119: {  	s14 =	simm.s32 $0xF80;
	[sflag:s0] =	ssyncadd.s32 $0xFFFFC000  }
0x11a: {  	[tilespmem:s6], [sflag:$0x2] =	stream.indirect.gather [hbm4b:s3+s1], $0x80, s14, s1, $0xb8;
	[tilespmem:$0x9000] =	vst v63  }
0x11b: {  	_ =	swait.ge [sflag:s7], $0x4000  }
0x11c: {  	[sflag:s7] =	ssyncset.done $0x0  }
0x11d: {  	s15 =	rddreg [dreg:$0x6];
	[sflag:s7] =	ssyncadd.s32 $0xFFFFC000  }
0x11e: {  	[hbm4b:s15+s2] =	stream.linear.scatter [tilespmem:s4], [sflag:$0x3], $0x4000, $0x38;
	[tilespmem:$0x9000] =	vst v63  }
0x11f: {  	_ =	swait.ge [sflag:s0], $0x4000  }
0x120: {  	[sflag:s0] =	ssyncset.done $0x0  }
0x121: {  	[sflag:s0] =	ssyncadd.s32 $0xFFFFC000  }
0x122: {  	[tilespmem:s4], [sflag:$0x1] =	stream.indirect.gather [hbm4b:s3+s1], $0x80, s2, s1, $0xb8;
	[tilespmem:$0x9000] =	vst v63  }
0x123: {  	_ =	swait.ge [sflag:s9], $0x4000  }
0x124: {  	[sflag:s9] =	ssyncset.done $0x0  }
0x125: {  	s17 =	rddreg [dreg:$0x7];
	[sflag:s9] =	ssyncadd.s32 $0xFFFFC000  }
0x126: {  	[hbm4b:s17+s2] =	stream.linear.scatter [tilespmem:s6], [sflag:$0x3], $0x4000, $0x38;
	[tilespmem:$0x9000] =	vst v63  }
0x127: {  	_ =	swait.ge [sflag:s0], $0x4000  }
0x128: {  	[sflag:s0] =	ssyncset.done $0x0  }
0x129: {  	s10 =	rddreg [dreg:$0x8];
	[sflag:s0] =	ssyncadd.s32 $0xFFFFC000  }
0x12a: {  	[tilespmem:s5], [sflag:$0x3] =	stream.linear.gather [hbm4b:s10+s2], $0x800, $0x38;
	[tilespmem:$0x9000] =	vst v63  }
0x12b: {  	_ =	swait.ge [sflag:s0], $0x800  }
0x12c: {  	[sflag:s0] =	ssyncset.done $0x0  }
0x12d: {  	[sflag:s0] =	ssyncadd.s32 $0xFFFFF800  }
0x12e: {  	[tilespmem:s6], [sflag:$0x2] =	stream.indirect.gather [hbm4b:s3+s1], $0x80, s1, s1, $0xb8;
	[tilespmem:$0x9000] =	vst v63  }
0x12f: {  	_ =	swait.ge [sflag:s7], $0x4000  }
0x130: {  	s15 =	sld [smem:$0x7EE]  }
0x131: {  	[sflag:s7] =	ssyncset.done $0x0  }
0x132: {  	[sflag:s7] =	ssyncadd.s32 $0xFFFFC000  }
0x133: {  	[hbm4b:s15+s2] =	stream.linear.scatter [tilespmem:s4], [sflag:$0x3], $0x4000, $0x38;
	[tilespmem:$0x9000] =	vst v63  }
0x134: {  	_ =	swait.ge [sflag:s0], $0x4000  }
0x135: {  	[sflag:s0] =	ssyncset.done $0x0  }
0x136: {  	s17 =	simm.s32 $0x100;
	[sflag:s0] =	ssyncadd.s32 $0xFFFFC000  }
0x137: {  	[tilespmem:s4], [sflag:$0x1] =	stream.indirect.gather [hbm4b:s3+s1], $0x80, s17, s1, $0xb8;
	[tilespmem:$0x9000] =	vst v63  }
0x138: {  	_ =	swait.ge [sflag:s9], $0x4000  }
0x139: {  	[sflag:s9] =	ssyncset.done $0x0  }
0x13a: {  	s5 =	rddreg [dreg:$0x19];
	[sflag:s9] =	ssyncadd.s32 $0xFFFFC000  }
0x13b: {  	[hbm4b:s5+s2] =	stream.linear.scatter [tilespmem:s6], [sflag:$0x3], $0x4000, $0x38;
	[tilespmem:$0x9000] =	vst v63  }
0x13c: {  	_ =	swait.ge [sflag:s0], $0x4000  }
0x13d: {  	[sflag:s0] =	ssyncset.done $0x0  }
0x13e: {  	[sflag:s0] =	ssyncadd.s32 $0xFFFFC000  }
0x13f: {  	[tilespmem:s6], [sflag:$0x2] =	stream.indirect.gather [hbm4b:s3+s1], $0x80, s18, s1, $0xb8;
	[tilespmem:$0x9000] =	vst v63  }
0x140: {  	_ =	swait.ge [sflag:s7], $0x4000  }
0x141: {  	s10 =	sld [smem:$0x7E9]  }
0x142: {  	[sflag:s7] =	ssyncset.done $0x0  }
0x143: {  	[sflag:s7] =	ssyncadd.s32 $0xFFFFC000  }
0x144: {  	[hbm4b:s10+s2] =	stream.linear.scatter [tilespmem:s4], [sflag:$0x3], $0x4000, $0x38;
	[tilespmem:$0x9000] =	vst v63  }
0x145: {  	_ =	swait.ge [sflag:s0], $0x4000  }
0x146: {  	[sflag:s0] =	ssyncset.done $0x0  }
0x147: {  	s10 =	simm.s32 $0x200;
	[sflag:s0] =	ssyncadd.s32 $0xFFFFC000  }
0x148: {  	[tilespmem:s4], [sflag:$0x1] =	stream.indirect.gather [hbm4b:s3+s1], $0x80, s10, s1, $0xb8;
	[tilespmem:$0x9000] =	vst v63  }
0x149: {  	_ =	swait.ge [sflag:s9], $0x4000  }
0x14a: {  	[sflag:s9] =	ssyncset.done $0x0  }
0x14b: {  	s15 =	rddreg [dreg:$0x1a];
	[sflag:s9] =	ssyncadd.s32 $0xFFFFC000  }
0x14c: {  	[hbm4b:s15+s2] =	stream.linear.scatter [tilespmem:s6], [sflag:$0x3], $0x4000, $0x38;
	[tilespmem:$0x9000] =	vst v63  }
0x14d: {  	_ =	swait.ge [sflag:s0], $0x4000  }
0x14e: {  	[sflag:s0] =	ssyncset.done $0x0  }
0x14f: {  	[sflag:s0] =	ssyncadd.s32 $0xFFFFC000  }
0x150: {  	[tilespmem:s6], [sflag:$0x2] =	stream.indirect.gather [hbm4b:s3+s1], $0x80, s12, s1, $0xb8;
	[tilespmem:$0x9000] =	vst v63  }
0x151: {  	_ =	swait.ge [sflag:s7], $0x4000  }
0x152: {  	s17 =	sld [smem:$0x7EA]  }
0x153: {  	[sflag:s7] =	ssyncset.done $0x0  }
0x154: {  	[sflag:s7] =	ssyncadd.s32 $0xFFFFC000  }
0x155: {  	[hbm4b:s17+s2] =	stream.linear.scatter [tilespmem:s4], [sflag:$0x3], $0x4000, $0x38;
	[tilespmem:$0x9000] =	vst v63  }
0x156: {  	_ =	swait.ge [sflag:s0], $0x4000  }
0x157: {  	[sflag:s0] =	ssyncset.done $0x0  }
0x158: {  	[sflag:s0] =	ssyncadd.s32 $0xFFFFC000  }
0x159: {  	[tilespmem:s4], [sflag:$0x1] =	stream.indirect.gather [hbm4b:s3+s1], $0x80, s13, s1, $0xb8;
	[tilespmem:$0x9000] =	vst v63  }
0x15a: {  	_ =	swait.ge [sflag:s9], $0x4000  }
0x15b: {  	[sflag:s9] =	ssyncset.done $0x0  }
0x15c: {  	s15 =	rddreg [dreg:$0x1b];
	[sflag:s9] =	ssyncadd.s32 $0xFFFFC000  }
0x15d: {  	[hbm4b:s15+s2] =	stream.linear.scatter [tilespmem:s6], [sflag:$0x3], $0x4000, $0x38;
	[tilespmem:$0x9000] =	vst v63  }
0x15e: {  	_ =	swait.ge [sflag:s0], $0x4000  }
0x15f: {  	[sflag:s0] =	ssyncset.done $0x0  }
0x160: {  	s15 =	simm.s32 $0x380;
	[sflag:s0] =	ssyncadd.s32 $0xFFFFC000  }
0x161: {  	[tilespmem:s6], [sflag:$0x2] =	stream.indirect.gather [hbm4b:s3+s1], $0x80, s15, s1, $0xb8;
	[tilespmem:$0x9000] =	vst v63  }
0x162: {  	_ =	swait.ge [sflag:s7], $0x4000  }
0x163: {  	s17 =	sld [smem:$0x7EB]  }
0x164: {  	[sflag:s7] =	ssyncset.done $0x0  }
0x165: {  	[sflag:s7] =	ssyncadd.s32 $0xFFFFC000  }
0x166: {  	[hbm4b:s17+s2] =	stream.linear.scatter [tilespmem:s4], [sflag:$0x3], $0x4000, $0x38;
	[tilespmem:$0x9000] =	vst v63  }
0x167: {  	_ =	swait.ge [sflag:s0], $0x4000  }
0x168: {  	[sflag:s0] =	ssyncset.done $0x0  }
0x169: {  	[sflag:s0] =	ssyncadd.s32 $0xFFFFC000  }
0x16a: {  	[tilespmem:s4], [sflag:$0x1] =	stream.indirect.gather [hbm4b:s3+s1], $0x80, s16, s1, $0xb8;
	[tilespmem:$0x9000] =	vst v63  }
0x16b: {  	_ =	swait.ge [sflag:s9], $0x4000  }
0x16c: {  	[sflag:s9] =	ssyncset.done $0x0  }
0x16d: {  	s17 =	rddreg [dreg:$0x1c];
	[sflag:s9] =	ssyncadd.s32 $0xFFFFC000  }
0x16e: {  	[hbm4b:s17+s2] =	stream.linear.scatter [tilespmem:s6], [sflag:$0x3], $0x4000, $0x38;
	[tilespmem:$0x9000] =	vst v63  }
0x16f: {  	_ =	swait.ge [sflag:s0], $0x4000  }
0x170: {  	[sflag:s0] =	ssyncset.done $0x0  }
0x171: {  	s17 =	simm.s32 $0x480;
	[sflag:s0] =	ssyncadd.s32 $0xFFFFC000  }
0x172: {  	[tilespmem:s6], [sflag:$0x2] =	stream.indirect.gather [hbm4b:s3+s1], $0x80, s17, s1, $0xb8;
	[tilespmem:$0x9000] =	vst v63  }
0x173: {  	_ =	swait.ge [sflag:s7], $0x4000  }
0x174: {  	s14 =	sld [smem:$0x7EC]  }
0x175: {  	[sflag:s7] =	ssyncset.done $0x0  }
0x176: {  	[sflag:s7] =	ssyncadd.s32 $0xFFFFC000  }
0x177: {  	[hbm4b:s14+s2] =	stream.linear.scatter [tilespmem:s4], [sflag:$0x3], $0x4000, $0x38;
	[tilespmem:$0x9000] =	vst v63  }
0x178: {  	_ =	swait.ge [sflag:s0], $0x4000  }
0x179: {  	[sflag:s0] =	ssyncset.done $0x0  }
0x17a: {  	[sflag:s0] =	ssyncadd.s32 $0xFFFFC000  }
0x17b: {  	[tilespmem:s4], [sflag:$0x1] =	stream.indirect.gather [hbm4b:s3+s1], $0x80, s20, s1, $0xb8;
	[tilespmem:$0x9000] =	vst v63  }
0x17c: {  	_ =	swait.ge [sflag:s9], $0x4000  }
0x17d: {  	[sflag:s9] =	ssyncset.done $0x0  }
0x17e: {  	s14 =	rddreg [dreg:$0x1d];
	[sflag:s9] =	ssyncadd.s32 $0xFFFFC000  }
0x17f: {  	[hbm4b:s14+s2] =	stream.linear.scatter [tilespmem:s6], [sflag:$0x3], $0x4000, $0x38;
	[tilespmem:$0x9000] =	vst v63  }
0x180: {  	_ =	swait.ge [sflag:s0], $0x4000  }
0x181: {  	[sflag:s0] =	ssyncset.done $0x0  }
0x182: {  	[sflag:s0] =	ssyncadd.s32 $0xFFFFC000  }
0x183: {  	[tilespmem:s6], [sflag:$0x2] =	stream.indirect.gather [hbm4b:s3+s1], $0x80, s21, s1, $0xb8;
	[tilespmem:$0x9000] =	vst v63  }
0x184: {  	_ =	swait.ge [sflag:s7], $0x4000  }
0x185: {  	s14 =	sld [smem:$0x7ED]  }
0x186: {  	[sflag:s7] =	ssyncset.done $0x0  }
0x187: {  	[sflag:s7] =	ssyncadd.s32 $0xFFFFC000  }
0x188: {  	[hbm4b:s14+s2] =	stream.linear.scatter [tilespmem:s4], [sflag:$0x3], $0x4000, $0x38;
	[tilespmem:$0x9000] =	vst v63  }
0x189: {  	_ =	swait.ge [sflag:s0], $0x4000  }
0x18a: {  	[sflag:s0] =	ssyncset.done $0x0  }
0x18b: {  	[sflag:s0] =	ssyncadd.s32 $0xFFFFC000  }
0x18c: {  	[tilespmem:s4], [sflag:$0x1] =	stream.indirect.gather [hbm4b:s3+s1], $0x80, s22, s1, $0xb8;
	[tilespmem:$0x9000] =	vst v63  }
0x18d: {  	_ =	swait.ge [sflag:s9], $0x4000  }
0x18e: {  	[sflag:s9] =	ssyncset.done $0x0  }
0x18f: {  	s14 =	rddreg [dreg:$0x1e];
	[sflag:s9] =	ssyncadd.s32 $0xFFFFC000  }
0x190: {  	[hbm4b:s14+s2] =	stream.linear.scatter [tilespmem:s6], [sflag:$0x3], $0x4000, $0x38;
	[tilespmem:$0x9000] =	vst v63  }
0x191: {  	_ =	swait.ge [sflag:s0], $0x4000  }
0x192: {  	[sflag:s0] =	ssyncset.done $0x0  }
0x193: {  	[sflag:s0] =	ssyncadd.s32 $0xFFFFC000  }
0x194: {  	[tilespmem:s6], [sflag:$0x2] =	stream.indirect.gather [hbm4b:s3+s1], $0x80, s23, s1, $0xb8;
	[tilespmem:$0x9000] =	vst v63  }
0x195: {  	_ =	swait.ge [sflag:s7], $0x4000  }
0x196: {  	s14 =	sld [smem:$0x7EF]  }
0x197: {  	[sflag:s7] =	ssyncset.done $0x0  }
0x198: {  	[sflag:s7] =	ssyncadd.s32 $0xFFFFC000  }
0x199: {  	[hbm4b:s14+s2] =	stream.linear.scatter [tilespmem:s4], [sflag:$0x3], $0x4000, $0x38;
	[tilespmem:$0x9000] =	vst v63  }
0x19a: {  	_ =	swait.ge [sflag:s0], $0x4000  }
0x19b: {  	[sflag:s0] =	ssyncset.done $0x0  }
0x19c: {  	[sflag:s0] =	ssyncadd.s32 $0xFFFFC000  }
0x19d: {  	[tilespmem:s4], [sflag:$0x1] =	stream.indirect.gather [hbm4b:s3+s1], $0x80, s24, s1, $0xb8;
	[tilespmem:$0x9000] =	vst v63  }
0x19e: {  	_ =	swait.ge [sflag:s9], $0x4000  }
0x19f: {  	[sflag:s9] =	ssyncset.done $0x0  }
0x1a0: {  	s14 =	rddreg [dreg:$0x1f];
	[sflag:s9] =	ssyncadd.s32 $0xFFFFC000  }
0x1a1: {  	[hbm4b:s14+s2] =	stream.linear.scatter [tilespmem:s6], [sflag:$0x3], $0x4000, $0x38;
	[tilespmem:$0x9000] =	vst v63  }
0x1a2: {  	_ =	swait.ge [sflag:s0], $0x4000  }
0x1a3: {  	[sflag:s0] =	ssyncset.done $0x0  }
0x1a4: {  	s14 =	simm.s32 $0x780;
	[sflag:s0] =	ssyncadd.s32 $0xFFFFC000  }
0x1a5: {  	[tilespmem:s6], [sflag:$0x2] =	stream.indirect.gather [hbm4b:s3+s1], $0x80, s14, s1, $0xb8;
	[tilespmem:$0x9000] =	vst v63  }
0x1a6: {  	_ =	swait.ge [sflag:s7], $0x4000  }
0x1a7: {  	[sflag:s7] =	ssyncset.done $0x0  }
0x1a8: {  	s14 =	rddreg [dreg:$0x9];
	[sflag:s7] =	ssyncadd.s32 $0xFFFFC000  }
0x1a9: {  	[hbm4b:s14+s2] =	stream.linear.scatter [tilespmem:s4], [sflag:$0x3], $0x4000, $0x38;
	[tilespmem:$0x9000] =	vst v63  }
0x1aa: {  	_ =	swait.ge [sflag:s0], $0x4000  }
0x1ab: {  	[sflag:s0] =	ssyncset.done $0x0  }
0x1ac: {  	s5 =	simm.s32 $0x800;
	[sflag:s0] =	ssyncadd.s32 $0xFFFFC000  }
0x1ad: {  	[tilespmem:s4], [sflag:$0x1] =	stream.indirect.gather [hbm4b:s3+s1], $0x80, s5, s1, $0xb8;
	[tilespmem:$0x9000] =	vst v63  }
0x1ae: {  	_ =	swait.ge [sflag:s9], $0x4000  }
0x1af: {  	[sflag:s9] =	ssyncset.done $0x0  }
0x1b0: {  	s5 =	rddreg [dreg:$0xa];
	[sflag:s9] =	ssyncadd.s32 $0xFFFFC000  }
0x1b1: {  	[hbm4b:s5+s2] =	stream.linear.scatter [tilespmem:s6], [sflag:$0x3], $0x4000, $0x38;
	[tilespmem:$0x9000] =	vst v63  }
0x1b2: {  	_ =	swait.ge [sflag:s0], $0x4000  }
0x1b3: {  	[sflag:s0] =	ssyncset.done $0x0  }
0x1b4: {  	s5 =	rddreg [dreg:$0xb];
	[sflag:s0] =	ssyncadd.s32 $0xFFFFC000  }
0x1b5: {  	[tilespmem:s2], [sflag:$0x3] =	stream.linear.gather [hbm4b:s5+s2], $0x800, $0x38;
	[tilespmem:$0x9000] =	vst v63  }
0x1b6: {  	_ =	swait.ge [sflag:s0], $0x800  }
0x1b7: {  	[sflag:s0] =	ssyncset.done $0x0  }
0x1b8: {  	s14 =	simm.s32 $0x880;
	[sflag:s0] =	ssyncadd.s32 $0xFFFFF800  }
0x1b9: {  	[tilespmem:s6], [sflag:$0x2] =	stream.indirect.gather [hbm4b:s3+s1], $0x80, s14, s1, $0xb8;
	[tilespmem:$0x9000] =	vst v63  }
0x1ba: {  	_ =	swait.ge [sflag:s7], $0x4000  }
0x1bb: {  	s5 =	sld [smem:$0x7F5]  }
0x1bc: {  	[sflag:s7] =	ssyncset.done $0x0  }
0x1bd: {  	[sflag:s7] =	ssyncadd.s32 $0xFFFFC000  }
0x1be: {  	[hbm4b:s5+s2] =	stream.linear.scatter [tilespmem:s4], [sflag:$0x3], $0x4000, $0x38;
	[tilespmem:$0x9000] =	vst v63  }
0x1bf: {  	_ =	swait.ge [sflag:s0], $0x4000  }
0x1c0: {  	[sflag:s0] =	ssyncset.done $0x0  }
0x1c1: {  	s14 =	simm.s32 $0x900;
	[sflag:s0] =	ssyncadd.s32 $0xFFFFC000  }
0x1c2: {  	[tilespmem:s4], [sflag:$0x1] =	stream.indirect.gather [hbm4b:s3+s1], $0x80, s14, s1, $0xb8;
	[tilespmem:$0x9000] =	vst v63  }
0x1c3: {  	_ =	swait.ge [sflag:s9], $0x4000  }
0x1c4: {  	s5 =	sld [smem:$0x7D4]  }
0x1c5: {  	[sflag:s9] =	ssyncset.done $0x0  }
0x1c6: {  	[sflag:s9] =	ssyncadd.s32 $0xFFFFC000  }
0x1c7: {  	[hbm4b:s5+s2] =	stream.linear.scatter [tilespmem:s6], [sflag:$0x3], $0x4000, $0x38;
	[tilespmem:$0x9000] =	vst v63  }
0x1c8: {  	_ =	swait.ge [sflag:s0], $0x4000  }
0x1c9: {  	[sflag:s0] =	ssyncset.done $0x0  }
0x1ca: {  	[sflag:s0] =	ssyncadd.s32 $0xFFFFC000  }
0x1cb: {  	[tilespmem:s6], [sflag:$0x2] =	stream.indirect.gather [hbm4b:s3+s1], $0x80, s29, s1, $0xb8;
	[tilespmem:$0x9000] =	vst v63  }
0x1cc: {  	_ =	swait.ge [sflag:s7], $0x4000  }
0x1cd: {  	s5 =	sld [smem:$0x7F0]  }
0x1ce: {  	[sflag:s7] =	ssyncset.done $0x0  }
0x1cf: {  	[sflag:s7] =	ssyncadd.s32 $0xFFFFC000  }
0x1d0: {  	[hbm4b:s5+s2] =	stream.linear.scatter [tilespmem:s4], [sflag:$0x3], $0x4000, $0x38;
	[tilespmem:$0x9000] =	vst v63  }
0x1d1: {  	_ =	swait.ge [sflag:s0], $0x4000  }
0x1d2: {  	[sflag:s0] =	ssyncset.done $0x0  }
0x1d3: {  	[sflag:s0] =	ssyncadd.s32 $0xFFFFC000  }
0x1d4: {  	[tilespmem:s4], [sflag:$0x1] =	stream.indirect.gather [hbm4b:s3+s1], $0x80, s31, s1, $0xb8;
	[tilespmem:$0x9000] =	vst v63  }
0x1d5: {  	_ =	swait.ge [sflag:s9], $0x4000  }
0x1d6: {  	s29 =	sld [smem:$0x7D5]  }
0x1d7: {  	[sflag:s9] =	ssyncset.done $0x0  }
0x1d8: {  	[sflag:s9] =	ssyncadd.s32 $0xFFFFC000  }
0x1d9: {  	[hbm4b:s29+s2] =	stream.linear.scatter [tilespmem:s6], [sflag:$0x3], $0x4000, $0x38;
	[tilespmem:$0x9000] =	vst v63  }
0x1da: {  	_ =	swait.ge [sflag:s0], $0x4000  }
0x1db: {  	[sflag:s0] =	ssyncset.done $0x0  }
0x1dc: {  	s31 =	simm.s32 $0xA80;
	[sflag:s0] =	ssyncadd.s32 $0xFFFFC000  }
0x1dd: {  	[tilespmem:s6], [sflag:$0x2] =	stream.indirect.gather [hbm4b:s3+s1], $0x80, s31, s1, $0xb8;
	[tilespmem:$0x9000] =	vst v63  }
0x1de: {  	_ =	swait.ge [sflag:s7], $0x4000  }
0x1df: {  	s5 =	sld [smem:$0x7F1]  }
0x1e0: {  	[sflag:s7] =	ssyncset.done $0x0  }
0x1e1: {  	[sflag:s7] =	ssyncadd.s32 $0xFFFFC000  }
0x1e2: {  	[hbm4b:s5+s2] =	stream.linear.scatter [tilespmem:s4], [sflag:$0x3], $0x4000, $0x38;
	[tilespmem:$0x9000] =	vst v63  }
0x1e3: {  	_ =	swait.ge [sflag:s0], $0x4000  }
0x1e4: {  	[sflag:s0] =	ssyncset.done $0x0  }
0x1e5: {  	s14 =	simm.s32 $0xB00;
	[sflag:s0] =	ssyncadd.s32 $0xFFFFC000  }
0x1e6: {  	[tilespmem:s4], [sflag:$0x1] =	stream.indirect.gather [hbm4b:s3+s1], $0x80, s14, s1, $0xb8;
	[tilespmem:$0x9000] =	vst v63  }
0x1e7: {  	_ =	swait.ge [sflag:s9], $0x4000  }
0x1e8: {  	s29 =	sld [smem:$0x7D6]  }
0x1e9: {  	[sflag:s9] =	ssyncset.done $0x0  }
0x1ea: {  	[sflag:s9] =	ssyncadd.s32 $0xFFFFC000  }
0x1eb: {  	[hbm4b:s29+s2] =	stream.linear.scatter [tilespmem:s6], [sflag:$0x3], $0x4000, $0x38;
	[tilespmem:$0x9000] =	vst v63  }
0x1ec: {  	_ =	swait.ge [sflag:s0], $0x4000  }
0x1ed: {  	[sflag:s0] =	ssyncset.done $0x0  }
0x1ee: {  	s31 =	simm.s32 $0xB80;
	[sflag:s0] =	ssyncadd.s32 $0xFFFFC000  }
0x1ef: {  	[tilespmem:s6], [sflag:$0x2] =	stream.indirect.gather [hbm4b:s3+s1], $0x80, s31, s1, $0xb8;
	[tilespmem:$0x9000] =	vst v63  }
0x1f0: {  	_ =	swait.ge [sflag:s7], $0x4000  }
0x1f1: {  	s5 =	sld [smem:$0x7F2]  }
0x1f2: {  	[sflag:s7] =	ssyncset.done $0x0  }
0x1f3: {  	[sflag:s7] =	ssyncadd.s32 $0xFFFFC000  }
0x1f4: {  	[hbm4b:s5+s2] =	stream.linear.scatter [tilespmem:s4], [sflag:$0x3], $0x4000, $0x38;
	[tilespmem:$0x9000] =	vst v63  }
0x1f5: {  	_ =	swait.ge [sflag:s0], $0x4000  }
0x1f6: {  	[sflag:s0] =	ssyncset.done $0x0  }
0x1f7: {  	s14 =	simm.s32 $0xC00;
	[sflag:s0] =	ssyncadd.s32 $0xFFFFC000  }
0x1f8: {  	[tilespmem:s4], [sflag:$0x1] =	stream.indirect.gather [hbm4b:s3+s1], $0x80, s14, s1, $0xb8;
	[tilespmem:$0x9000] =	vst v63  }
0x1f9: {  	_ =	swait.ge [sflag:s9], $0x4000  }
0x1fa: {  	s29 =	sld [smem:$0x7D7]  }
0x1fb: {  	[sflag:s9] =	ssyncset.done $0x0  }
0x1fc: {  	[sflag:s9] =	ssyncadd.s32 $0xFFFFC000  }
0x1fd: {  	[hbm4b:s29+s2] =	stream.linear.scatter [tilespmem:s6], [sflag:$0x3], $0x4000, $0x38;
	[tilespmem:$0x9000] =	vst v63  }
0x1fe: {  	_ =	swait.ge [sflag:s0], $0x4000  }
0x1ff: {  	[sflag:s0] =	ssyncset.done $0x0  }
0x200: {  	s31 =	simm.s32 $0xC80;
	[sflag:s0] =	ssyncadd.s32 $0xFFFFC000  }
0x201: {  	[tilespmem:s6], [sflag:$0x2] =	stream.indirect.gather [hbm4b:s3+s1], $0x80, s31, s1, $0xb8;
	[tilespmem:$0x9000] =	vst v63  }
0x202: {  	_ =	swait.ge [sflag:s7], $0x4000  }
0x203: {  	s5 =	sld [smem:$0x7F3]  }
0x204: {  	[sflag:s7] =	ssyncset.done $0x0  }
0x205: {  	[sflag:s7] =	ssyncadd.s32 $0xFFFFC000  }
0x206: {  	[hbm4b:s5+s2] =	stream.linear.scatter [tilespmem:s4], [sflag:$0x3], $0x4000, $0x38;
	[tilespmem:$0x9000] =	vst v63  }
0x207: {  	_ =	swait.ge [sflag:s0], $0x4000  }
0x208: {  	[sflag:s0] =	ssyncset.done $0x0  }
0x209: {  	[sflag:s0] =	ssyncadd.s32 $0xFFFFC000  }
0x20a: {  	[tilespmem:s4], [sflag:$0x1] =	stream.indirect.gather [hbm4b:s3+s1], $0x80, s25, s1, $0xb8;
	[tilespmem:$0x9000] =	vst v63  }
0x20b: {  	_ =	swait.ge [sflag:s9], $0x4000  }
0x20c: {  	s29 =	sld [smem:$0x7D8]  }
0x20d: {  	[sflag:s9] =	ssyncset.done $0x0  }
0x20e: {  	[sflag:s9] =	ssyncadd.s32 $0xFFFFC000  }
0x20f: {  	[hbm4b:s29+s2] =	stream.linear.scatter [tilespmem:s6], [sflag:$0x3], $0x4000, $0x38;
	[tilespmem:$0x9000] =	vst v63  }
0x210: {  	_ =	swait.ge [sflag:s0], $0x4000  }
0x211: {  	[sflag:s0] =	ssyncset.done $0x0  }
0x212: {  	[sflag:s0] =	ssyncadd.s32 $0xFFFFC000  }
0x213: {  	[tilespmem:s6], [sflag:$0x2] =	stream.indirect.gather [hbm4b:s3+s1], $0x80, s26, s1, $0xb8;
	[tilespmem:$0x9000] =	vst v63  }
0x214: {  	_ =	swait.ge [sflag:s7], $0x4000  }
0x215: {  	s31 =	sld [smem:$0x7F4]  }
0x216: {  	[sflag:s7] =	ssyncset.done $0x0  }
0x217: {  	[sflag:s7] =	ssyncadd.s32 $0xFFFFC000  }
0x218: {  	[hbm4b:s31+s2] =	stream.linear.scatter [tilespmem:s4], [sflag:$0x3], $0x4000, $0x38;
	[tilespmem:$0x9000] =	vst v63  }
0x219: {  	_ =	swait.ge [sflag:s0], $0x4000  }
0x21a: {  	[sflag:s0] =	ssyncset.done $0x0  }
0x21b: {  	[sflag:s0] =	ssyncadd.s32 $0xFFFFC000  }
0x21c: {  	[tilespmem:s4], [sflag:$0x1] =	stream.indirect.gather [hbm4b:s3+s1], $0x80, s28, s1, $0xb8;
	[tilespmem:$0x9000] =	vst v63  }
0x21d: {  	_ =	swait.ge [sflag:s9], $0x4000  }
0x21e: {  	s5 =	sld [smem:$0x7D9]  }
0x21f: {  	[sflag:s9] =	ssyncset.done $0x0  }
0x220: {  	[sflag:s9] =	ssyncadd.s32 $0xFFFFC000  }
0x221: {  	[hbm4b:s5+s2] =	stream.linear.scatter [tilespmem:s6], [sflag:$0x3], $0x4000, $0x38;
	[tilespmem:$0x9000] =	vst v63  }
0x222: {  	_ =	swait.ge [sflag:s0], $0x4000  }
0x223: {  	[sflag:s0] =	ssyncset.done $0x0  }
0x224: {  	[sflag:s0] =	ssyncadd.s32 $0xFFFFC000  }
0x225: {  	[tilespmem:s6], [sflag:$0x2] =	stream.indirect.gather [hbm4b:s3+s1], $0x80, s8, s1, $0xb8;
	[tilespmem:$0x9000] =	vst v63  }
0x226: {  	_ =	swait.ge [sflag:s7], $0x4000  }
0x227: {  	s8 =	sld [smem:$0x7F6]  }
0x228: {  	[sflag:s7] =	ssyncset.done $0x0  }
0x229: {  	[sflag:s7] =	ssyncadd.s32 $0xFFFFC000  }
0x22a: {  	[hbm4b:s8+s2] =	stream.linear.scatter [tilespmem:s4], [sflag:$0x3], $0x4000, $0x38;
	[tilespmem:$0x9000] =	vst v63  }
0x22b: {  	_ =	swait.ge [sflag:s0], $0x4000  }
0x22c: {  	[sflag:s0] =	ssyncset.done $0x0  }
0x22d: {  	s14 =	simm.s32 $0xF00;
	[sflag:s0] =	ssyncadd.s32 $0xFFFFC000  }
0x22e: {  	[tilespmem:s4], [sflag:$0x1] =	stream.indirect.gather [hbm4b:s3+s1], $0x80, s14, s1, $0xb8;
	[tilespmem:$0x9000] =	vst v63  }
0x22f: {  	_ =	swait.ge [sflag:s9], $0x4000  }
0x230: {  	s29 =	sld [smem:$0x7DA]  }
0x231: {  	[sflag:s9] =	ssyncset.done $0x0  }
0x232: {  	[sflag:s9] =	ssyncadd.s32 $0xFFFFC000  }
0x233: {  	[hbm4b:s29+s2] =	stream.linear.scatter [tilespmem:s6], [sflag:$0x3], $0x4000, $0x38;
	[tilespmem:$0x9000] =	vst v63  }
0x234: {  	_ =	swait.ge [sflag:s0], $0x4000  }
0x235: {  	[sflag:s0] =	ssyncset.done $0x0  }
0x236: {  	s31 =	simm.s32 $0xF80;
	[sflag:s0] =	ssyncadd.s32 $0xFFFFC000  }
0x237: {  	[tilespmem:s6], [sflag:$0x2] =	stream.indirect.gather [hbm4b:s3+s1], $0x80, s31, s1, $0xb8;
	[tilespmem:$0x9000] =	vst v63  }
0x238: {  	_ =	swait.ge [sflag:s7], $0x4000  }
0x239: {  	[sflag:s7] =	ssyncset.done $0x0  }
0x23a: {  	s5 =	rddreg [dreg:$0xc];
	[sflag:s7] =	ssyncadd.s32 $0xFFFFC000  }
0x23b: {  	[hbm4b:s5+s2] =	stream.linear.scatter [tilespmem:s4], [sflag:$0x3], $0x4000, $0x38;
	[tilespmem:$0x9000] =	vst v63  }
0x23c: {  	_ =	swait.ge [sflag:s0], $0x4000  }
0x23d: {  	[sflag:s0] =	ssyncset.done $0x0  }
0x23e: {  	[sflag:s0] =	ssyncadd.s32 $0xFFFFC000  }
0x23f: {  	[tilespmem:s4], [sflag:$0x1] =	stream.indirect.gather [hbm4b:s3+s1], $0x80, s2, s1, $0xb8;
	[tilespmem:$0x9000] =	vst v63  }
0x240: {  	_ =	swait.ge [sflag:s9], $0x4000  }
0x241: {  	[sflag:s9] =	ssyncset.done $0x0  }
0x242: {  	s8 =	rddreg [dreg:$0xd];
	[sflag:s9] =	ssyncadd.s32 $0xFFFFC000  }
0x243: {  	[hbm4b:s8+s2] =	stream.linear.scatter [tilespmem:s6], [sflag:$0x3], $0x4000, $0x38;
	[tilespmem:$0x9000] =	vst v63  }
0x244: {  	_ =	swait.ge [sflag:s0], $0x4000  }
0x245: {  	[sflag:s0] =	ssyncset.done $0x0  }
0x246: {  	[sflag:s0] =	ssyncadd.s32 $0xFFFFC000  }
0x247: {  	[tilespmem:s6], [sflag:$0x2] =	stream.indirect.gather [hbm4b:s3+s1], $0x80, s1, s1, $0xb8;
	[tilespmem:$0x9000] =	vst v63  }
0x248: {  	_ =	swait.ge [sflag:s7], $0x4000  }
0x249: {  	s29 =	sld [smem:$0x7FC]  }
0x24a: {  	[sflag:s7] =	ssyncset.done $0x0  }
0x24b: {  	[sflag:s7] =	ssyncadd.s32 $0xFFFFC000  }
0x24c: {  	[hbm4b:s29+s2] =	stream.linear.scatter [tilespmem:s4], [sflag:$0x3], $0x4000, $0x38;
	[tilespmem:$0x9000] =	vst v63  }
0x24d: {  	_ =	swait.ge [sflag:s0], $0x4000  }
0x24e: {  	[sflag:s0] =	ssyncset.done $0x0  }
0x24f: {  	s8 =	simm.s32 $0x100;
	[sflag:s0] =	ssyncadd.s32 $0xFFFFC000  }
0x250: {  	[tilespmem:s4], [sflag:$0x1] =	stream.indirect.gather [hbm4b:s3+s1], $0x80, s8, s1, $0xb8;
	[tilespmem:$0x9000] =	vst v63  }
0x251: {  	_ =	swait.ge [sflag:s9], $0x4000  }
0x252: {  	s31 =	sld [smem:$0x7DB]  }
0x253: {  	[sflag:s9] =	ssyncset.done $0x0  }
0x254: {  	[sflag:s9] =	ssyncadd.s32 $0xFFFFC000  }
0x255: {  	[hbm4b:s31+s2] =	stream.linear.scatter [tilespmem:s6], [sflag:$0x3], $0x4000, $0x38;
	[tilespmem:$0x9000] =	vst v63  }
0x256: {  	_ =	swait.ge [sflag:s0], $0x4000  }
0x257: {  	[sflag:s0] =	ssyncset.done $0x0  }
0x258: {  	[sflag:s0] =	ssyncadd.s32 $0xFFFFC000  }
0x259: {  	[tilespmem:s6], [sflag:$0x2] =	stream.indirect.gather [hbm4b:s3+s1], $0x80, s18, s1, $0xb8;
	[tilespmem:$0x9000] =	vst v63  }
0x25a: {  	_ =	swait.ge [sflag:s7], $0x4000  }
0x25b: {  	s5 =	sld [smem:$0x7F7]  }
0x25c: {  	[sflag:s7] =	ssyncset.done $0x0  }
0x25d: {  	[sflag:s7] =	ssyncadd.s32 $0xFFFFC000  }
0x25e: {  	[hbm4b:s5+s2] =	stream.linear.scatter [tilespmem:s4], [sflag:$0x3], $0x4000, $0x38;
	[tilespmem:$0x9000] =	vst v63  }
0x25f: {  	_ =	swait.ge [sflag:s0], $0x4000  }
0x260: {  	[sflag:s0] =	ssyncset.done $0x0  }
0x261: {  	[sflag:s0] =	ssyncadd.s32 $0xFFFFC000  }
0x262: {  	[tilespmem:s4], [sflag:$0x1] =	stream.indirect.gather [hbm4b:s3+s1], $0x80, s10, s1, $0xb8;
	[tilespmem:$0x9000] =	vst v63  }
0x263: {  	_ =	swait.ge [sflag:s9], $0x4000  }
0x264: {  	s29 =	sld [smem:$0x7DC]  }
0x265: {  	[sflag:s9] =	ssyncset.done $0x0  }
0x266: {  	[sflag:s9] =	ssyncadd.s32 $0xFFFFC000  }
0x267: {  	[hbm4b:s29+s2] =	stream.linear.scatter [tilespmem:s6], [sflag:$0x3], $0x4000, $0x38;
	[tilespmem:$0x9000] =	vst v63  }
0x268: {  	_ =	swait.ge [sflag:s0], $0x4000  }
0x269: {  	[sflag:s0] =	ssyncset.done $0x0  }
0x26a: {  	[sflag:s0] =	ssyncadd.s32 $0xFFFFC000  }
0x26b: {  	[tilespmem:s6], [sflag:$0x2] =	stream.indirect.gather [hbm4b:s3+s1], $0x80, s12, s1, $0xb8;
	[tilespmem:$0x9000] =	vst v63  }
0x26c: {  	_ =	swait.ge [sflag:s7], $0x4000  }
0x26d: {  	s31 =	sld [smem:$0x7F8]  }
0x26e: {  	[sflag:s7] =	ssyncset.done $0x0  }
0x26f: {  	[sflag:s7] =	ssyncadd.s32 $0xFFFFC000  }
0x270: {  	[hbm4b:s31+s2] =	stream.linear.scatter [tilespmem:s4], [sflag:$0x3], $0x4000, $0x38;
	[tilespmem:$0x9000] =	vst v63  }
0x271: {  	_ =	swait.ge [sflag:s0], $0x4000  }
0x272: {  	[sflag:s0] =	ssyncset.done $0x0  }
0x273: {  	[sflag:s0] =	ssyncadd.s32 $0xFFFFC000  }
0x274: {  	[tilespmem:s4], [sflag:$0x1] =	stream.indirect.gather [hbm4b:s3+s1], $0x80, s13, s1, $0xb8;
	[tilespmem:$0x9000] =	vst v63  }
0x275: {  	_ =	swait.ge [sflag:s9], $0x4000  }
0x276: {  	s10 =	sld [smem:$0x7DD]  }
0x277: {  	[sflag:s9] =	ssyncset.done $0x0  }
0x278: {  	[sflag:s9] =	ssyncadd.s32 $0xFFFFC000  }
0x279: {  	[hbm4b:s10+s2] =	stream.linear.scatter [tilespmem:s6], [sflag:$0x3], $0x4000, $0x38;
	[tilespmem:$0x9000] =	vst v63  }
0x27a: {  	_ =	swait.ge [sflag:s0], $0x4000  }
0x27b: {  	[sflag:s0] =	ssyncset.done $0x0  }
0x27c: {  	[sflag:s0] =	ssyncadd.s32 $0xFFFFC000  }
0x27d: {  	[tilespmem:s6], [sflag:$0x2] =	stream.indirect.gather [hbm4b:s3+s1], $0x80, s15, s1, $0xb8;
	[tilespmem:$0x9000] =	vst v63  }
0x27e: {  	_ =	swait.ge [sflag:s7], $0x4000  }
0x27f: {  	s29 =	sld [smem:$0x7F9]  }
0x280: {  	[sflag:s7] =	ssyncset.done $0x0  }
0x281: {  	[sflag:s7] =	ssyncadd.s32 $0xFFFFC000  }
0x282: {  	[hbm4b:s29+s2] =	stream.linear.scatter [tilespmem:s4], [sflag:$0x3], $0x4000, $0x38;
	[tilespmem:$0x9000] =	vst v63  }
0x283: {  	_ =	swait.ge [sflag:s0], $0x4000  }
0x284: {  	[sflag:s0] =	ssyncset.done $0x0  }
0x285: {  	[sflag:s0] =	ssyncadd.s32 $0xFFFFC000  }
0x286: {  	[tilespmem:s4], [sflag:$0x1] =	stream.indirect.gather [hbm4b:s3+s1], $0x80, s16, s1, $0xb8;
	[tilespmem:$0x9000] =	vst v63  }
0x287: {  	_ =	swait.ge [sflag:s9], $0x4000  }
0x288: {  	s31 =	sld [smem:$0x7DE]  }
0x289: {  	[sflag:s9] =	ssyncset.done $0x0  }
0x28a: {  	[sflag:s9] =	ssyncadd.s32 $0xFFFFC000  }
0x28b: {  	[hbm4b:s31+s2] =	stream.linear.scatter [tilespmem:s6], [sflag:$0x3], $0x4000, $0x38;
	[tilespmem:$0x9000] =	vst v63  }
0x28c: {  	_ =	swait.ge [sflag:s0], $0x4000  }
0x28d: {  	[sflag:s0] =	ssyncset.done $0x0  }
0x28e: {  	[sflag:s0] =	ssyncadd.s32 $0xFFFFC000  }
0x28f: {  	[tilespmem:s6], [sflag:$0x2] =	stream.indirect.gather [hbm4b:s3+s1], $0x80, s17, s1, $0xb8;
	[tilespmem:$0x9000] =	vst v63  }
0x290: {  	_ =	swait.ge [sflag:s7], $0x4000  }
0x291: {  	s10 =	sld [smem:$0x7FA]  }
0x292: {  	[sflag:s7] =	ssyncset.done $0x0  }
0x293: {  	[sflag:s7] =	ssyncadd.s32 $0xFFFFC000  }
0x294: {  	[hbm4b:s10+s2] =	stream.linear.scatter [tilespmem:s4], [sflag:$0x3], $0x4000, $0x38;
	[tilespmem:$0x9000] =	vst v63  }
0x295: {  	_ =	swait.ge [sflag:s0], $0x4000  }
0x296: {  	[sflag:s0] =	ssyncset.done $0x0  }
0x297: {  	[sflag:s0] =	ssyncadd.s32 $0xFFFFC000  }
0x298: {  	[tilespmem:s4], [sflag:$0x1] =	stream.indirect.gather [hbm4b:s3+s1], $0x80, s20, s1, $0xb8;
	[tilespmem:$0x9000] =	vst v63  }
0x299: {  	_ =	swait.ge [sflag:s9], $0x4000  }
0x29a: {  	s15 =	sld [smem:$0x7DF]  }
0x29b: {  	[sflag:s9] =	ssyncset.done $0x0  }
0x29c: {  	[sflag:s9] =	ssyncadd.s32 $0xFFFFC000  }
0x29d: {  	[hbm4b:s15+s2] =	stream.linear.scatter [tilespmem:s6], [sflag:$0x3], $0x4000, $0x38;
	[tilespmem:$0x9000] =	vst v63  }
0x29e: {  	_ =	swait.ge [sflag:s0], $0x4000  }
0x29f: {  	[sflag:s0] =	ssyncset.done $0x0  }
0x2a0: {  	[sflag:s0] =	ssyncadd.s32 $0xFFFFC000  }
0x2a1: {  	[tilespmem:s6], [sflag:$0x2] =	stream.indirect.gather [hbm4b:s3+s1], $0x80, s21, s1, $0xb8;
	[tilespmem:$0x9000] =	vst v63  }
0x2a2: {  	_ =	swait.ge [sflag:s7], $0x4000  }
0x2a3: {  	s17 =	sld [smem:$0x7FB]  }
0x2a4: {  	[sflag:s7] =	ssyncset.done $0x0  }
0x2a5: {  	[sflag:s7] =	ssyncadd.s32 $0xFFFFC000  }
0x2a6: {  	[hbm4b:s17+s2] =	stream.linear.scatter [tilespmem:s4], [sflag:$0x3], $0x4000, $0x38;
	[tilespmem:$0x9000] =	vst v63  }
0x2a7: {  	_ =	swait.ge [sflag:s0], $0x4000  }
0x2a8: {  	[sflag:s0] =	ssyncset.done $0x0  }
0x2a9: {  	[sflag:s0] =	ssyncadd.s32 $0xFFFFC000  }
0x2aa: {  	[tilespmem:s4], [sflag:$0x1] =	stream.indirect.gather [hbm4b:s3+s1], $0x80, s22, s1, $0xb8;
	[tilespmem:$0x9000] =	vst v63  }
0x2ab: {  	_ =	swait.ge [sflag:s9], $0x4000  }
0x2ac: {  	s29 =	sld [smem:$0x7E0]  }
0x2ad: {  	[sflag:s9] =	ssyncset.done $0x0  }
0x2ae: {  	[sflag:s9] =	ssyncadd.s32 $0xFFFFC000  }
0x2af: {  	[hbm4b:s29+s2] =	stream.linear.scatter [tilespmem:s6], [sflag:$0x3], $0x4000, $0x38;
	[tilespmem:$0x9000] =	vst v63  }
0x2b0: {  	_ =	swait.ge [sflag:s0], $0x4000  }
0x2b1: {  	[sflag:s0] =	ssyncset.done $0x0  }
0x2b2: {  	[sflag:s0] =	ssyncadd.s32 $0xFFFFC000  }
0x2b3: {  	[tilespmem:s6], [sflag:$0x2] =	stream.indirect.gather [hbm4b:s3+s1], $0x80, s23, s1, $0xb8;
	[tilespmem:$0x9000] =	vst v63  }
0x2b4: {  	_ =	swait.ge [sflag:s7], $0x4000  }
0x2b5: {  	s31 =	sld [smem:$0x7FD]  }
0x2b6: {  	[sflag:s7] =	ssyncset.done $0x0  }
0x2b7: {  	[sflag:s7] =	ssyncadd.s32 $0xFFFFC000  }
0x2b8: {  	[hbm4b:s31+s2] =	stream.linear.scatter [tilespmem:s4], [sflag:$0x3], $0x4000, $0x38;
	[tilespmem:$0x9000] =	vst v63  }
0x2b9: {  	_ =	swait.ge [sflag:s0], $0x4000  }
0x2ba: {  	[sflag:s0] =	ssyncset.done $0x0  }
0x2bb: {  	[sflag:s0] =	ssyncadd.s32 $0xFFFFC000  }
0x2bc: {  	[tilespmem:s4], [sflag:$0x1] =	stream.indirect.gather [hbm4b:s3+s1], $0x80, s24, s1, $0xb8;
	[tilespmem:$0x9000] =	vst v63  }
0x2bd: {  	_ =	swait.ge [sflag:s9], $0x4000  }
0x2be: {  	s10 =	sld [smem:$0x7E1]  }
0x2bf: {  	[sflag:s9] =	ssyncset.done $0x0  }
0x2c0: {  	[sflag:s9] =	ssyncadd.s32 $0xFFFFC000  }
0x2c1: {  	[hbm4b:s10+s2] =	stream.linear.scatter [tilespmem:s6], [sflag:$0x3], $0x4000, $0x38;
	[tilespmem:$0x9000] =	vst v63  }
0x2c2: {  	_ =	swait.ge [sflag:s0], $0x4000  }
0x2c3: {  	[sflag:s0] =	ssyncset.done $0x0  }
0x2c4: {  	s15 =	simm.s32 $0x780;
	[sflag:s0] =	ssyncadd.s32 $0xFFFFC000  }
0x2c5: {  	[tilespmem:s6], [sflag:$0x2] =	stream.indirect.gather [hbm4b:s3+s1], $0x80, s15, s1, $0xb8;
	[tilespmem:$0x9000] =	vst v63  }
0x2c6: {  	_ =	swait.ge [sflag:s7], $0x4000  }
0x2c7: {  	[sflag:s7] =	ssyncset.done $0x0  }
0x2c8: {  	s17 =	rddreg [dreg:$0xe];
	[sflag:s7] =	ssyncadd.s32 $0xFFFFC000  }
0x2c9: {  	[hbm4b:s17+s2] =	stream.linear.scatter [tilespmem:s4], [sflag:$0x3], $0x4000, $0x38;
	[tilespmem:$0x9000] =	vst v63  }
0x2ca: {  	_ =	swait.ge [sflag:s0], $0x4000  }
0x2cb: {  	[sflag:s0] =	ssyncset.done $0x0  }
0x2cc: {  	[sflag:s0] =	ssyncadd.s32 $0xFFFFC000  }
0x2cd: {  	_ =	swait.ge [sflag:s9], $0x4000  }
0x2ce: {  	[sflag:s9] =	ssyncset.done $0x0  }
0x2cf: {  	s29 =	rddreg [dreg:$0xf];
	[sflag:s9] =	ssyncadd.s32 $0xFFFFC000  }
0x2d0: {  	[hbm4b:s29+s2] =	stream.linear.scatter [tilespmem:s6], [sflag:$0x3], $0x4000, $0x38;
	[tilespmem:$0x9000] =	vst v63  }
0x2d1: {  	_ =	swait.ge [sflag:s0], $0x4000  }
0x2d2: {  	s11 =	sadd.s32 $0x1, s11;
	s31 =	rddreg [dreg:$0x10]  }
0x2d3: {  	p0 =	sne.s32 s11, s31  }
.Ltmp1:
0x2d4: {  	_ = 	snop;
	(pc) =	sbr.rel @p0 .LBB2_1-.Ltmp1, $3  }
0x2d5: {  	_ =	sdelay $0x1  }
0x2d6: {  	[sflag:s0] =	ssyncset.done $0x0  }
0x2d7: {  	s5 =	simm.s32 $0x800;
	[sflag:s0] =	ssyncadd.s32 $0xFFFFC000  }
0x2d8: {  	_ =	sfence.sel $0x180000  }
0x2d9: {  	[bflag:$0x0] =	sbarrier.arrive $0xFFFF  }
0x2da: {  	_ =	strace $0x90000047  }
0x2db: {  	s0 =	stileid.u32;
	[bflag:$0x2] =	sbarrier.arrive $0xFFFF  }
0x2dc: {  	p0 =	sne.s32 s0, $0x0;
	s0 =	rddreg [dreg:$0x1]  }
0x2dd: {  	s0 =	sadd.s32 @!p0 $0x100000, s0  }
0x2de: {  	[sflag:s0] =	ssyncadd.tile.s32 @!p0 $0x1;
	_ =	shalt  }
.Lfunc_end2:
_tile_overlayer_lowered:
.L_overlay_start_2:
0x2df: {  	(tag) =	ssettag $0x2  }
0x2e0: {  	s0 =	rddreg [dreg:$0x0];
	s2 =	stileid.u32  }
0x2e1: {  	s1 =	rddreg [dreg:$0x1];
	p0 =	sne.s32 s2, $0x0  }
0x2e2: {  	s3 =	rddreg [dreg:$0x2];
	[bflag:$0x3] =	sbarrier.arrive $0xFFFF;
	s2 =	simm.s32 @!p0 $0x1C03  }
0x2e3: {  	[timem:s3], [sflag:s2] =	dma.local @!p0 [hbm:s0], s1  }
0x2e4: {  	s0 =	simm.s32 @!p0 $0x3  }
0x2e5: {  	_ =	swait.ge @!p0 [sflag:s0], s1  }
0x2e6: {  	s1 =	ssub.s32 @!p0 $0x0, s1;
	[sflag:s0] =	ssyncset.done @!p0 $0x0  }
0x2e7: {  	[sflag:s0] =	ssyncadd.s32 @!p0 s1  }
0x2e8: {  	[bflag:$0x3] =	sbarrier.arrive $0xFFFF  }
0x2e9: {  	_ =	shalt  }

</sc_bundles>
